<compile_context>
chip_gen: v7x
topology: tpu7x:2x2x1
jax: 0.10.2.dev20260603
libtpu: 0.0.44.dev20260713+nightly
codegen_flags: <defaults>
</compile_context>

<pallas_src>
import functools

import jax
import jax.numpy as jnp
from jax import lax
from jax.experimental import pallas as pl
from jax.experimental.pallas import tpu as pltpu
from jax.experimental.pallas import tpu_sc as plsc

T = 16384
D = 2048
E = 16
K = 2
TB = 512
NBUF = 8
NBLK = T // TB

NW = 32
TPW = T // NW


def _copy(x_hbm, buf_ref, sem, blk, slot):
    return pltpu.make_async_copy(
        x_hbm.at[pl.ds(blk * TB, TB), :], buf_ref.at[slot], sem.at[slot])


def _gemm_body(x_hbm, w_ref, b_ref, logits_ref, buf_ref, sem):
    i = pl.program_id(0)

    @pl.when(i == 0)
    def _prime():
        for b in range(NBUF - 1):
            _copy(x_hbm, buf_ref, sem, b, b).start()

    nxt = i + NBUF - 1

    @pl.when(nxt < NBLK)
    def _refill():
        _copy(x_hbm, buf_ref, sem, nxt, nxt % NBUF).start()

    slot = jax.lax.rem(i, NBUF)
    _copy(x_hbm, buf_ref, sem, i, slot).wait()

    logits_ref[...] = jnp.dot(buf_ref[slot], w_ref[...],
                              preferred_element_type=jnp.float32) + b_ref[...]


def _sc_routing_body(logits_hbm, tkw_hbm, tki_hbm, cnt_hbm, psum_hbm,
                     lvm, owf, owi, pvm, sem):
    wid = lax.axis_index("s") * 2 + lax.axis_index("c")
    base = wid * TPW
    pltpu.async_copy(logits_hbm.at[pl.ds(base, TPW), :], lvm, sem).wait()

    lane_i = lax.iota(jnp.int32, 16)
    lane = lane_i.astype(jnp.float32)
    zeros = jnp.zeros((16,), jnp.float32)

    def group(g, carry):
        cnt_acc, ps_acc = carry
        w1v = zeros
        w2v = zeros
        i1v = zeros
        i2v = zeros
        for j in range(16):
            v = lvm[g * 16 + j, :]
            m1 = jnp.max(v)
            i1 = jnp.min(jnp.where(v == m1, lane, 16.0))
            hit1 = lane == i1
            v2 = jnp.where(hit1, -jnp.inf, v)
            m2 = jnp.max(v2)
            i2 = jnp.min(jnp.where(v2 == m2, lane, 16.0))
            hit2 = lane == i2
            e = jnp.exp(v - m1)
            s = jnp.sum(e)
            pv = e / s
            ps_acc = ps_acc + pv
            cnt_acc = (cnt_acc + jnp.where(hit1, 1.0, 0.0)
                       + jnp.where(hit2, 1.0, 0.0))
            mine = lane_i == j
            w1v = jnp.where(mine, jnp.sum(jnp.where(hit1, pv, zeros)), w1v)
            w2v = jnp.where(mine, jnp.sum(jnp.where(hit2, pv, zeros)), w2v)
            i1v = jnp.where(mine, i1, i1v)
            i2v = jnp.where(mine, i2, i2v)
        owf[0, pl.ds(g * 16, 16)] = w1v
        owf[1, pl.ds(g * 16, 16)] = w2v
        owi[0, pl.ds(g * 16, 16)] = i1v.astype(jnp.int32)
        owi[1, pl.ds(g * 16, 16)] = i2v.astype(jnp.int32)
        return cnt_acc, ps_acc

    cnt, ps = lax.fori_loop(0, TPW // 16, group, (zeros, zeros))

    pvm[0, :] = cnt
    pvm[1, :] = ps
    pltpu.sync_copy(owf, tkw_hbm.at[:, pl.ds(base, TPW)])
    pltpu.sync_copy(owi, tki_hbm.at[:, pl.ds(base, TPW)])
    pltpu.sync_copy(pvm.at[0], cnt_hbm.at[wid])
    pltpu.sync_copy(pvm.at[1], psum_hbm.at[wid])


@jax.jit
def _router(x_flat, W, b):
    logits = pl.pallas_call(
        _gemm_body,
        grid=(NBLK,),
        in_specs=[
            pl.BlockSpec(memory_space=pl.ANY),
            pl.BlockSpec((D, E), lambda i: (0, 0)),
            pl.BlockSpec((1, E), lambda i: (0, 0)),
        ],
        out_specs=pl.BlockSpec((TB, E), lambda i: (i, 0)),
        out_shape=jax.ShapeDtypeStruct((T, E), jnp.float32),
        scratch_shapes=[
            pltpu.VMEM((NBUF, TB, D), jnp.float32),
            pltpu.SemaphoreType.DMA((NBUF,)),
        ],
    )(x_flat, W, b.reshape(1, E))

    mesh = plsc.VectorSubcoreMesh(core_axis_name="c", subcore_axis_name="s")
    sc = functools.partial(
        pl.kernel,
        out_type=[
            jax.ShapeDtypeStruct((K, T), jnp.float32),
            jax.ShapeDtypeStruct((K, T), jnp.int32),
            jax.ShapeDtypeStruct((NW, E), jnp.float32),
            jax.ShapeDtypeStruct((NW, E), jnp.float32),
        ],
        mesh=mesh,
        compiler_params=pltpu.CompilerParams(needs_layout_passes=False),
        scratch_types=[
            pltpu.VMEM((TPW, E), jnp.float32),
            pltpu.VMEM((K, TPW), jnp.float32),
            pltpu.VMEM((K, TPW), jnp.int32),
            pltpu.VMEM((2, E), jnp.float32),
            pltpu.SemaphoreType.DMA,
        ],
    )(_sc_routing_body)
    tkw_t, tki_t, cnt_p, psum_p = sc(logits)

    aux = (E / (T * T)) * jnp.sum(jnp.sum(cnt_p, axis=0)
                                  * jnp.sum(psum_p, axis=0))
    return tkw_t.T, tki_t.T.astype(jnp.int64), aux


def kernel(x_flat, W, b):
    return _router(x_flat, W, b)

# --- scband reference (transcript-rebuilt; emitter-appended) ---
"""Pipeline reference for scband-router-90013924590281 (READ-ONLY COPY).

The authoritative reference and input builder live on the scoring server;
editing this copy changes nothing except your own understanding.
"""

import jax, jax.numpy as jnp
import numpy as np

T = 16384
D = 2048
E = 16
K = 2

def setup_inputs(seed: int = 0) -> dict:
    key = jax.random.key(seed)
    k1, k2, k3 = jax.random.split(key, 3)
    x_flat = jax.random.normal(k1, (T, D), dtype=jnp.float32)
    # gating_network parameters: nn.Linear(input_dim, num_experts)
    bound = 1.0 / np.sqrt(D)
    W = jax.random.uniform(k2, (D, E), dtype=jnp.float32, minval=-bound, maxval=bound)
    b = jax.random.uniform(k3, (E,), dtype=jnp.float32, minval=-bound, maxval=bound)
    return {"x_flat": x_flat, "W": W, "b": b}

def reference(x_flat, W, b):
    # logits = self.gating_network(x_flat)
    logits = x_flat @ W + b
    # router_probs = softmax(logits, dim=-1)
    router_probs = jax.nn.softmax(logits, axis=-1)
    # top_k over expert probabilities
    top_k_weights, top_k_indices = jax.lax.top_k(router_probs, K)
    # expert_mask = one_hot(top_k_indices, num_experts).sum(dim=1)  -> [T, E]
    expert_mask = jax.nn.one_hot(top_k_indices, E, dtype=jnp.float32).sum(axis=1)
    # auxiliary load-balancing loss
    tokens_per_expert = jnp.mean(expert_mask, axis=0)
    router_prob_per_expert = jnp.mean(router_probs, axis=0)
    auxiliary_loss = E * jnp.sum(tokens_per_expert * router_prob_per_expert)
    return (top_k_weights, top_k_indices.astype(jnp.int64), auxiliary_loss)

if __name__ == "__main__":
    import jax
    _d = setup_inputs()
    print(jax.jit(kernel)(*tuple(_d.values())))

</pallas_src>

<mosaic_0001>
#map = affine_map<(d0, d1) -> (0, 0)>
module attributes {stable_mosaic.version = 14 : i64} {
  func.func @_sc_routing_body(%arg0: i32, %arg1: i32, %arg2: memref<16384x16xf32, #tpu.memory_space<hbm>>, %arg3: memref<2x16384xf32, #tpu.memory_space<hbm>>, %arg4: memref<2x16384xi32, #tpu.memory_space<hbm>>, %arg5: memref<32x16xf32, #tpu.memory_space<hbm>>, %arg6: memref<32x16xf32, #tpu.memory_space<hbm>>, %arg7: memref<512x16xf32, #tpu.memory_space<vmem>>, %arg8: memref<2x512xf32, #tpu.memory_space<vmem>>, %arg9: memref<2x512xi32, #tpu.memory_space<vmem>>, %arg10: memref<2x16xf32, #tpu.memory_space<vmem>>, %arg11: memref<!tpu.dma_semaphore, #tpu.memory_space<semaphore_mem>>) attributes {dimension_semantics = [#tpu.dimension_semantics<core_parallel>, #tpu.dimension_semantics<subcore_parallel>], iteration_bounds = array<i64: 2, 16>, scalar_prefetch = 0 : i64, scratch_operands = 5 : i64, tpu.core_type = #tpu.core_type<sc_vector_subcore>, window_params = [{transform_indices = #map}, {transform_indices = #map}, {transform_indices = #map}, {transform_indices = #map}, {transform_indices = #map}]} {
    %mul3A = arith.constant 2 : i32
    %mul3A_0 = arith.muli %arg1, %mul3A : i32
    %add3A = arith.addi %mul3A_0, %arg0 : i32
    %mul3A_1 = arith.constant 512 : i32
    %mul3A_2 = arith.muli %add3A, %mul3A_1 : i32
    %dma_start3A = arith.constant 0 : i32
    %dma_start3A_3 = tpu.memref_slice %arg2[%mul3A_2, %dma_start3A] : memref<16384x16xf32, #tpu.memory_space<hbm>> -> memref<512x16xf32, #tpu.memory_space<hbm>>
    %dma_start3A_4 = arith.constant 0 : i32
    %dma_start3A_5 = tpu.memref_slice %arg2[%mul3A_2, %dma_start3A_4] : memref<16384x16xf32, #tpu.memory_space<hbm>> -> memref<512x16xf32, #tpu.memory_space<hbm>>
    tpu.enqueue_dma source(%dma_start3A_5 : memref<512x16xf32, #tpu.memory_space<hbm>>) target(%arg7 : memref<512x16xf32, #tpu.memory_space<vmem>>) target_semaphore(%arg11 : memref<!tpu.dma_semaphore, #tpu.memory_space<semaphore_mem>>)
    %dma_wait3A = arith.constant 0 : i32
    %dma_wait3A_6 = tpu.memref_slice %arg2[%mul3A_2, %dma_wait3A] : memref<16384x16xf32, #tpu.memory_space<hbm>> -> memref<512x16xf32, #tpu.memory_space<hbm>>
    %dma_wait3A_7 = arith.constant 0 : i32
    %dma_wait3A_8 = tpu.memref_slice %arg2[%mul3A_2, %dma_wait3A_7] : memref<16384x16xf32, #tpu.memory_space<hbm>> -> memref<512x16xf32, #tpu.memory_space<hbm>>
    tpu.wait_dma2 semaphore(%arg11 : memref<!tpu.dma_semaphore, #tpu.memory_space<semaphore_mem>>) src(%dma_wait3A_8 : memref<512x16xf32, #tpu.memory_space<hbm>>) dst(%arg7 : memref<512x16xf32, #tpu.memory_space<vmem>>)
    %iota3A = tpu.iota {dimensions = array<i32: 0>} : vector<16xi32>
    %convert_element_type3A = arith.sitofp %iota3A : vector<16xi32> to vector<16xf32>
    %broadcast_in_dim3A = arith.constant 0.000000e+00 : f32
    %broadcast_in_dim3A_9 = vector.broadcast %broadcast_in_dim3A : f32 to vector<16xf32>
    %scan3A = arith.constant 0 : i32
    %scan3A_10 = arith.constant 32 : i32
    %scan3A_11 = arith.addi %scan3A, %scan3A_10 : i32
    %scan3A_12 = arith.constant 1 : i32
    %scan3A_13:2 = scf.for %scan3A_23 = %scan3A to %scan3A_11 step %scan3A_12 iter_args(%scan3A_24 = %broadcast_in_dim3A_9, %scan3A_25 = %broadcast_in_dim3A_9) -> (vector<16xf32>, vector<16xf32>)  : i32 {
      %mul3A_26 = arith.constant 16 : i32
      %mul3A_27 = arith.muli %scan3A_23, %mul3A_26 : i32
      %add3A_28 = arith.constant 0 : i32
      %add3A_29 = arith.addi %mul3A_27, %add3A_28 : i32
      %get3A = arith.index_cast %add3A_29 : i32 to index
      %get3A_30 = arith.constant 0 : index
      %get3A_31 = tpu.vector_load %arg7[%get3A, %get3A_30] {strides = array<i32>} : memref<512x16xf32, #tpu.memory_space<vmem>>, vector<16xf32>,
      %reduce_max3A = arith.constant true
      %reduce_max3A_32 = vector.broadcast %reduce_max3A : i1 to vector<16xi1>
      %reduce_max3A_33 = tpu.scan <max>, %get3A_31 masked %reduce_max3A_32 : vector<16xf32>, vector<16xi1> -> vector<16xf32>
      %reduce_max3A_34 = vector.extract %reduce_max3A_33[15] : f32 from vector<16xf32>
      %eq3A = vector.broadcast %reduce_max3A_34 : f32 to vector<16xf32>
      %eq3A_35 = arith.cmpf oeq, %get3A_31, %eq3A : vector<16xf32>
      %jit3A = arith.constant 1.600000e+01 : f32
      %broadcast_in_dim3A_36 = vector.broadcast %jit3A : f32 to vector<16xf32>
      %select_n3A = arith.select %eq3A_35, %convert_element_type3A, %broadcast_in_dim3A_36 : vector<16xi1>, vector<16xf32>
      %reduce_min3A = arith.constant true
      %reduce_min3A_37 = vector.broadcast %reduce_min3A : i1 to vector<16xi1>
      %reduce_min3A_38 = tpu.scan <min>, %select_n3A masked %reduce_min3A_37 : vector<16xf32>, vector<16xi1> -> vector<16xf32>
      %reduce_min3A_39 = vector.extract %reduce_min3A_38[15] : f32 from vector<16xf32>
      %eq3A_40 = vector.broadcast %reduce_min3A_39 : f32 to vector<16xf32>
      %eq3A_41 = arith.cmpf oeq, %convert_element_type3A, %eq3A_40 : vector<16xf32>
      %jit3A_42 = arith.constant 0xFF800000 : f32
      %broadcast_in_dim3A_43 = vector.broadcast %jit3A_42 : f32 to vector<16xf32>
      %select_n3A_44 = arith.select %eq3A_41, %broadcast_in_dim3A_43, %get3A_31 : vector<16xi1>, vector<16xf32>
      %reduce_max3A_45 = arith.constant true
      %reduce_max3A_46 = vector.broadcast %reduce_max3A_45 : i1 to vector<16xi1>
      %reduce_max3A_47 = tpu.scan <max>, %select_n3A_44 masked %reduce_max3A_46 : vector<16xf32>, vector<16xi1> -> vector<16xf32>
      %reduce_max3A_48 = vector.extract %reduce_max3A_47[15] : f32 from vector<16xf32>
      %eq3A_49 = vector.broadcast %reduce_max3A_48 : f32 to vector<16xf32>
      %eq3A_50 = arith.cmpf oeq, %select_n3A_44, %eq3A_49 : vector<16xf32>
      %jit3A_51 = arith.constant 1.600000e+01 : f32
      %broadcast_in_dim3A_52 = vector.broadcast %jit3A_51 : f32 to vector<16xf32>
      %select_n3A_53 = arith.select %eq3A_50, %convert_element_type3A, %broadcast_in_dim3A_52 : vector<16xi1>, vector<16xf32>
      %reduce_min3A_54 = arith.constant true
      %reduce_min3A_55 = vector.broadcast %reduce_min3A_54 : i1 to vector<16xi1>
      %reduce_min3A_56 = tpu.scan <min>, %select_n3A_53 masked %reduce_min3A_55 : vector<16xf32>, vector<16xi1> -> vector<16xf32>
      %reduce_min3A_57 = vector.extract %reduce_min3A_56[15] : f32 from vector<16xf32>
      %eq3A_58 = vector.broadcast %reduce_min3A_57 : f32 to vector<16xf32>
      %eq3A_59 = arith.cmpf oeq, %convert_element_type3A, %eq3A_58 : vector<16xf32>
      %sub3A = vector.broadcast %reduce_max3A_34 : f32 to vector<16xf32>
      %sub3A_60 = arith.subf %get3A_31, %sub3A : vector<16xf32>
      %exp3A = math.exp %sub3A_60 : vector<16xf32>
      %reduce_sum3A = arith.constant true
      %reduce_sum3A_61 = vector.broadcast %reduce_sum3A : i1 to vector<16xi1>
      %reduce_sum3A_62 = tpu.scan <sum>, %exp3A masked %reduce_sum3A_61 : vector<16xf32>, vector<16xi1> -> vector<16xf32>
      %reduce_sum3A_63 = vector.extract %reduce_sum3A_62[15] : f32 from vector<16xf32>
      %div3A = vector.broadcast %reduce_sum3A_63 : f32 to vector<16xf32>
      %div3A_64 = arith.divf %exp3A, %div3A : vector<16xf32>
      %add3A_65 = arith.addf %scan3A_25, %div3A_64 : vector<16xf32>
      %jit3A_66 = arith.constant 1.000000e+00 : f32
      %jit3A_67 = arith.constant 0.000000e+00 : f32
      %broadcast_in_dim3A_68 = vector.broadcast %jit3A_66 : f32 to vector<16xf32>
      %broadcast_in_dim3A_69 = vector.broadcast %jit3A_67 : f32 to vector<16xf32>
      %select_n3A_70 = arith.select %eq3A_41, %broadcast_in_dim3A_68, %broadcast_in_dim3A_69 : vector<16xi1>, vector<16xf32>
      %add3A_71 = arith.addf %scan3A_24, %select_n3A_70 : vector<16xf32>
      %jit3A_72 = arith.constant 1.000000e+00 : f32
      %jit3A_73 = arith.constant 0.000000e+00 : f32
      %broadcast_in_dim3A_74 = vector.broadcast %jit3A_72 : f32 to vector<16xf32>
      %broadcast_in_dim3A_75 = vector.broadcast %jit3A_73 : f32 to vector<16xf32>
      %select_n3A_76 = arith.select %eq3A_59, %broadcast_in_dim3A_74, %broadcast_in_dim3A_75 : vector<16xi1>, vector<16xf32>
      %add3A_77 = arith.addf %add3A_71, %select_n3A_76 : vector<16xf32>
      %eq3A_78 = arith.constant 0 : i32
      %eq3A_79 = vector.broadcast %eq3A_78 : i32 to vector<16xi32>
      %eq3A_80 = arith.cmpi eq, %iota3A, %eq3A_79 : vector<16xi32>
      %select_n3A_81 = arith.select %eq3A_41, %div3A_64, %broadcast_in_dim3A_9 : vector<16xi1>, vector<16xf32>
      %reduce_sum3A_82 = arith.constant true
      %reduce_sum3A_83 = vector.broadcast %reduce_sum3A_82 : i1 to vector<16xi1>
      %reduce_sum3A_84 = tpu.scan <sum>, %select_n3A_81 masked %reduce_sum3A_83 : vector<16xf32>, vector<16xi1> -> vector<16xf32>
      %reduce_sum3A_85 = vector.extract %reduce_sum3A_84[15] : f32 from vector<16xf32>
      %broadcast_in_dim3A_86 = vector.broadcast %reduce_sum3A_85 : f32 to vector<16xf32>
      %select_n3A_87 = arith.select %eq3A_80, %broadcast_in_dim3A_86, %broadcast_in_dim3A_9 : vector<16xi1>, vector<16xf32>
      %select_n3A_88 = arith.select %eq3A_59, %div3A_64, %broadcast_in_dim3A_9 : vector<16xi1>, vector<16xf32>
      %reduce_sum3A_89 = arith.constant true
      %reduce_sum3A_90 = vector.broadcast %reduce_sum3A_89 : i1 to vector<16xi1>
      %reduce_sum3A_91 = tpu.scan <sum>, %select_n3A_88 masked %reduce_sum3A_90 : vector<16xf32>, vector<16xi1> -> vector<16xf32>
      %reduce_sum3A_92 = vector.extract %reduce_sum3A_91[15] : f32 from vector<16xf32>
      %broadcast_in_dim3A_93 = vector.broadcast %reduce_sum3A_92 : f32 to vector<16xf32>
      %select_n3A_94 = arith.select %eq3A_80, %broadcast_in_dim3A_93, %broadcast_in_dim3A_9 : vector<16xi1>, vector<16xf32>
      %broadcast_in_dim3A_95 = vector.broadcast %reduce_min3A_39 : f32 to vector<16xf32>
      %select_n3A_96 = arith.select %eq3A_80, %broadcast_in_dim3A_95, %broadcast_in_dim3A_9 : vector<16xi1>, vector<16xf32>
      %broadcast_in_dim3A_97 = vector.broadcast %reduce_min3A_57 : f32 to vector<16xf32>
      %select_n3A_98 = arith.select %eq3A_80, %broadcast_in_dim3A_97, %broadcast_in_dim3A_9 : vector<16xi1>, vector<16xf32>
      %mul3A_99 = arith.constant 16 : i32
      %mul3A_100 = arith.muli %scan3A_23, %mul3A_99 : i32
      %add3A_101 = arith.constant 1 : i32
      %add3A_102 = arith.addi %mul3A_100, %add3A_101 : i32
      %get3A_103 = arith.index_cast %add3A_102 : i32 to index
      %get3A_104 = arith.constant 0 : index
      %get3A_105 = tpu.vector_load %arg7[%get3A_103, %get3A_104] {strides = array<i32>} : memref<512x16xf32, #tpu.memory_space<vmem>>, vector<16xf32>,
      %reduce_max3A_106 = arith.constant true
      %reduce_max3A_107 = vector.broadcast %reduce_max3A_106 : i1 to vector<16xi1>
      %reduce_max3A_108 = tpu.scan <max>, %get3A_105 masked %reduce_max3A_107 : vector<16xf32>, vector<16xi1> -> vector<16xf32>
      %reduce_max3A_109 = vector.extract %reduce_max3A_108[15] : f32 from vector<16xf32>
      %eq3A_110 = vector.broadcast %reduce_max3A_109 : f32 to vector<16xf32>
      %eq3A_111 = arith.cmpf oeq, %get3A_105, %eq3A_110 : vector<16xf32>
      %jit3A_112 = arith.constant 1.600000e+01 : f32
      %broadcast_in_dim3A_113 = vector.broadcast %jit3A_112 : f32 to vector<16xf32>
      %select_n3A_114 = arith.select %eq3A_111, %convert_element_type3A, %broadcast_in_dim3A_113 : vector<16xi1>, vector<16xf32>
      %reduce_min3A_115 = arith.constant true
      %reduce_min3A_116 = vector.broadcast %reduce_min3A_115 : i1 to vector<16xi1>
      %reduce_min3A_117 = tpu.scan <min>, %select_n3A_114 masked %reduce_min3A_116 : vector<16xf32>, vector<16xi1> -> vector<16xf32>
      %reduce_min3A_118 = vector.extract %reduce_min3A_117[15] : f32 from vector<16xf32>
      %eq3A_119 = vector.broadcast %reduce_min3A_118 : f32 to vector<16xf32>
      %eq3A_120 = arith.cmpf oeq, %convert_element_type3A, %eq3A_119 : vector<16xf32>
      %jit3A_121 = arith.constant 0xFF800000 : f32
      %broadcast_in_dim3A_122 = vector.broadcast %jit3A_121 : f32 to vector<16xf32>
      %select_n3A_123 = arith.select %eq3A_120, %broadcast_in_dim3A_122, %get3A_105 : vector<16xi1>, vector<16xf32>
      %reduce_max3A_124 = arith.constant true
      %reduce_max3A_125 = vector.broadcast %reduce_max3A_124 : i1 to vector<16xi1>
      %reduce_max3A_126 = tpu.scan <max>, %select_n3A_123 masked %reduce_max3A_125 : vector<16xf32>, vector<16xi1> -> vector<16xf32>
      %reduce_max3A_127 = vector.extract %reduce_max3A_126[15] : f32 from vector<16xf32>
      %eq3A_128 = vector.broadcast %reduce_max3A_127 : f32 to vector<16xf32>
      %eq3A_129 = arith.cmpf oeq, %select_n3A_123, %eq3A_128 : vector<16xf32>
      %jit3A_130 = arith.constant 1.600000e+01 : f32
      %broadcast_in_dim3A_131 = vector.broadcast %jit3A_130 : f32 to vector<16xf32>
      %select_n3A_132 = arith.select %eq3A_129, %convert_element_type3A, %broadcast_in_dim3A_131 : vector<16xi1>, vector<16xf32>
      %reduce_min3A_133 = arith.constant true
      %reduce_min3A_134 = vector.broadcast %reduce_min3A_133 : i1 to vector<16xi1>
      %reduce_min3A_135 = tpu.scan <min>, %select_n3A_132 masked %reduce_min3A_134 : vector<16xf32>, vector<16xi1> -> vector<16xf32>
      %reduce_min3A_136 = vector.extract %reduce_min3A_135[15] : f32 from vector<16xf32>
      %eq3A_137 = vector.broadcast %reduce_min3A_136 : f32 to vector<16xf32>
      %eq3A_138 = arith.cmpf oeq, %convert_element_type3A, %eq3A_137 : vector<16xf32>
      %sub3A_139 = vector.broadcast %reduce_max3A_109 : f32 to vector<16xf32>
      %sub3A_140 = arith.subf %get3A_105, %sub3A_139 : vector<16xf32>
      %exp3A_141 = math.exp %sub3A_140 : vector<16xf32>
      %reduce_sum3A_142 = arith.constant true
      %reduce_sum3A_143 = vector.broadcast %reduce_sum3A_142 : i1 to vector<16xi1>
      %reduce_sum3A_144 = tpu.scan <sum>, %exp3A_141 masked %reduce_sum3A_143 : vector<16xf32>, vector<16xi1> -> vector<16xf32>
      %reduce_sum3A_145 = vector.extract %reduce_sum3A_144[15] : f32 from vector<16xf32>
      %div3A_146 = vector.broadcast %reduce_sum3A_145 : f32 to vector<16xf32>
      %div3A_147 = arith.divf %exp3A_141, %div3A_146 : vector<16xf32>
      %add3A_148 = arith.addf %add3A_65, %div3A_147 : vector<16xf32>
      %jit3A_149 = arith.constant 1.000000e+00 : f32
      %jit3A_150 = arith.constant 0.000000e+00 : f32
      %broadcast_in_dim3A_151 = vector.broadcast %jit3A_149 : f32 to vector<16xf32>
      %broadcast_in_dim3A_152 = vector.broadcast %jit3A_150 : f32 to vector<16xf32>
      %select_n3A_153 = arith.select %eq3A_120, %broadcast_in_dim3A_151, %broadcast_in_dim3A_152 : vector<16xi1>, vector<16xf32>
      %add3A_154 = arith.addf %add3A_77, %select_n3A_153 : vector<16xf32>
      %jit3A_155 = arith.constant 1.000000e+00 : f32
      %jit3A_156 = arith.constant 0.000000e+00 : f32
      %broadcast_in_dim3A_157 = vector.broadcast %jit3A_155 : f32 to vector<16xf32>
      %broadcast_in_dim3A_158 = vector.broadcast %jit3A_156 : f32 to vector<16xf32>
      %select_n3A_159 = arith.select %eq3A_138, %broadcast_in_dim3A_157, %broadcast_in_dim3A_158 : vector<16xi1>, vector<16xf32>
      %add3A_160 = arith.addf %add3A_154, %select_n3A_159 : vector<16xf32>
      %eq3A_161 = arith.constant 1 : i32
      %eq3A_162 = vector.broadcast %eq3A_161 : i32 to vector<16xi32>
      %eq3A_163 = arith.cmpi eq, %iota3A, %eq3A_162 : vector<16xi32>
      %select_n3A_164 = arith.select %eq3A_120, %div3A_147, %broadcast_in_dim3A_9 : vector<16xi1>, vector<16xf32>
      %reduce_sum3A_165 = arith.constant true
      %reduce_sum3A_166 = vector.broadcast %reduce_sum3A_165 : i1 to vector<16xi1>
      %reduce_sum3A_167 = tpu.scan <sum>, %select_n3A_164 masked %reduce_sum3A_166 : vector<16xf32>, vector<16xi1> -> vector<16xf32>
      %reduce_sum3A_168 = vector.extract %reduce_sum3A_167[15] : f32 from vector<16xf32>
      %broadcast_in_dim3A_169 = vector.broadcast %reduce_sum3A_168 : f32 to vector<16xf32>
      %select_n3A_170 = arith.select %eq3A_163, %broadcast_in_dim3A_169, %select_n3A_87 : vector<16xi1>, vector<16xf32>
      %select_n3A_171 = arith.select %eq3A_138, %div3A_147, %broadcast_in_dim3A_9 : vector<16xi1>, vector<16xf32>
      %reduce_sum3A_172 = arith.constant true
      %reduce_sum3A_173 = vector.broadcast %reduce_sum3A_172 : i1 to vector<16xi1>
      %reduce_sum3A_174 = tpu.scan <sum>, %select_n3A_171 masked %reduce_sum3A_173 : vector<16xf32>, vector<16xi1> -> vector<16xf32>
      %reduce_sum3A_175 = vector.extract %reduce_sum3A_174[15] : f32 from vector<16xf32>
      %broadcast_in_dim3A_176 = vector.broadcast %reduce_sum3A_175 : f32 to vector<16xf32>
      %select_n3A_177 = arith.select %eq3A_163, %broadcast_in_dim3A_176, %select_n3A_94 : vector<16xi1>, vector<16xf32>
      %broadcast_in_dim3A_178 = vector.broadcast %reduce_min3A_118 : f32 to vector<16xf32>
      %select_n3A_179 = arith.select %eq3A_163, %broadcast_in_dim3A_178, %select_n3A_96 : vector<16xi1>, vector<16xf32>
      %broadcast_in_dim3A_180 = vector.broadcast %reduce_min3A_136 : f32 to vector<16xf32>
      %select_n3A_181 = arith.select %eq3A_163, %broadcast_in_dim3A_180, %select_n3A_98 : vector<16xi1>, vector<16xf32>
      %mul3A_182 = arith.constant 16 : i32
      %mul3A_183 = arith.muli %scan3A_23, %mul3A_182 : i32
      %add3A_184 = arith.constant 2 : i32
      %add3A_185 = arith.addi %mul3A_183, %add3A_184 : i32
      %get3A_186 = arith.index_cast %add3A_185 : i32 to index
      %get3A_187 = arith.constant 0 : index
      %get3A_188 = tpu.vector_load %arg7[%get3A_186, %get3A_187] {strides = array<i32>} : memref<512x16xf32, #tpu.memory_space<vmem>>, vector<16xf32>,
      %reduce_max3A_189 = arith.constant true
      %reduce_max3A_190 = vector.broadcast %reduce_max3A_189 : i1 to vector<16xi1>
      %reduce_max3A_191 = tpu.scan <max>, %get3A_188 masked %reduce_max3A_190 : vector<16xf32>, vector<16xi1> -> vector<16xf32>
      %reduce_max3A_192 = vector.extract %reduce_max3A_191[15] : f32 from vector<16xf32>
      %eq3A_193 = vector.broadcast %reduce_max3A_192 : f32 to vector<16xf32>
      %eq3A_194 = arith.cmpf oeq, %get3A_188, %eq3A_193 : vector<16xf32>
      %jit3A_195 = arith.constant 1.600000e+01 : f32
      %broadcast_in_dim3A_196 = vector.broadcast %jit3A_195 : f32 to vector<16xf32>
      %select_n3A_197 = arith.select %eq3A_194, %convert_element_type3A, %broadcast_in_dim3A_196 : vector<16xi1>, vector<16xf32>
      %reduce_min3A_198 = arith.constant true
      %reduce_min3A_199 = vector.broadcast %reduce_min3A_198 : i1 to vector<16xi1>
      %reduce_min3A_200 = tpu.scan <min>, %select_n3A_197 masked %reduce_min3A_199 : vector<16xf32>, vector<16xi1> -> vector<16xf32>
      %reduce_min3A_201 = vector.extract %reduce_min3A_200[15] : f32 from vector<16xf32>
      %eq3A_202 = vector.broadcast %reduce_min3A_201 : f32 to vector<16xf32>
      %eq3A_203 = arith.cmpf oeq, %convert_element_type3A, %eq3A_202 : vector<16xf32>
      %jit3A_204 = arith.constant 0xFF800000 : f32
      %broadcast_in_dim3A_205 = vector.broadcast %jit3A_204 : f32 to vector<16xf32>
      %select_n3A_206 = arith.select %eq3A_203, %broadcast_in_dim3A_205, %get3A_188 : vector<16xi1>, vector<16xf32>
      %reduce_max3A_207 = arith.constant true
      %reduce_max3A_208 = vector.broadcast %reduce_max3A_207 : i1 to vector<16xi1>
      %reduce_max3A_209 = tpu.scan <max>, %select_n3A_206 masked %reduce_max3A_208 : vector<16xf32>, vector<16xi1> -> vector<16xf32>
      %reduce_max3A_210 = vector.extract %reduce_max3A_209[15] : f32 from vector<16xf32>
      %eq3A_211 = vector.broadcast %reduce_max3A_210 : f32 to vector<16xf32>
      %eq3A_212 = arith.cmpf oeq, %select_n3A_206, %eq3A_211 : vector<16xf32>
      %jit3A_213 = arith.constant 1.600000e+01 : f32
      %broadcast_in_dim3A_214 = vector.broadcast %jit3A_213 : f32 to vector<16xf32>
      %select_n3A_215 = arith.select %eq3A_212, %convert_element_type3A, %broadcast_in_dim3A_214 : vector<16xi1>, vector<16xf32>
      %reduce_min3A_216 = arith.constant true
      %reduce_min3A_217 = vector.broadcast %reduce_min3A_216 : i1 to vector<16xi1>
      %reduce_min3A_218 = tpu.scan <min>, %select_n3A_215 masked %reduce_min3A_217 : vector<16xf32>, vector<16xi1> -> vector<16xf32>
      %reduce_min3A_219 = vector.extract %reduce_min3A_218[15] : f32 from vector<16xf32>
      %eq3A_220 = vector.broadcast %reduce_min3A_219 : f32 to vector<16xf32>
      %eq3A_221 = arith.cmpf oeq, %convert_element_type3A, %eq3A_220 : vector<16xf32>
      %sub3A_222 = vector.broadcast %reduce_max3A_192 : f32 to vector<16xf32>
      %sub3A_223 = arith.subf %get3A_188, %sub3A_222 : vector<16xf32>
      %exp3A_224 = math.exp %sub3A_223 : vector<16xf32>
      %reduce_sum3A_225 = arith.constant true
      %reduce_sum3A_226 = vector.broadcast %reduce_sum3A_225 : i1 to vector<16xi1>
      %reduce_sum3A_227 = tpu.scan <sum>, %exp3A_224 masked %reduce_sum3A_226 : vector<16xf32>, vector<16xi1> -> vector<16xf32>
      %reduce_sum3A_228 = vector.extract %reduce_sum3A_227[15] : f32 from vector<16xf32>
      %div3A_229 = vector.broadcast %reduce_sum3A_228 : f32 to vector<16xf32>
      %div3A_230 = arith.divf %exp3A_224, %div3A_229 : vector<16xf32>
      %add3A_231 = arith.addf %add3A_148, %div3A_230 : vector<16xf32>
      %jit3A_232 = arith.constant 1.000000e+00 : f32
      %jit3A_233 = arith.constant 0.000000e+00 : f32
      %broadcast_in_dim3A_234 = vector.broadcast %jit3A_232 : f32 to vector<16xf32>
      %broadcast_in_dim3A_235 = vector.broadcast %jit3A_233 : f32 to vector<16xf32>
      %select_n3A_236 = arith.select %eq3A_203, %broadcast_in_dim3A_234, %broadcast_in_dim3A_235 : vector<16xi1>, vector<16xf32>
      %add3A_237 = arith.addf %add3A_160, %select_n3A_236 : vector<16xf32>
      %jit3A_238 = arith.constant 1.000000e+00 : f32
      %jit3A_239 = arith.constant 0.000000e+00 : f32
      %broadcast_in_dim3A_240 = vector.broadcast %jit3A_238 : f32 to vector<16xf32>
      %broadcast_in_dim3A_241 = vector.broadcast %jit3A_239 : f32 to vector<16xf32>
      %select_n3A_242 = arith.select %eq3A_221, %broadcast_in_dim3A_240, %broadcast_in_dim3A_241 : vector<16xi1>, vector<16xf32>
      %add3A_243 = arith.addf %add3A_237, %select_n3A_242 : vector<16xf32>
      %eq3A_244 = arith.constant 2 : i32
      %eq3A_245 = vector.broadcast %eq3A_244 : i32 to vector<16xi32>
      %eq3A_246 = arith.cmpi eq, %iota3A, %eq3A_245 : vector<16xi32>
      %select_n3A_247 = arith.select %eq3A_203, %div3A_230, %broadcast_in_dim3A_9 : vector<16xi1>, vector<16xf32>
      %reduce_sum3A_248 = arith.constant true
      %reduce_sum3A_249 = vector.broadcast %reduce_sum3A_248 : i1 to vector<16xi1>
      %reduce_sum3A_250 = tpu.scan <sum>, %select_n3A_247 masked %reduce_sum3A_249 : vector<16xf32>, vector<16xi1> -> vector<16xf32>
      %reduce_sum3A_251 = vector.extract %reduce_sum3A_250[15] : f32 from vector<16xf32>
      %broadcast_in_dim3A_252 = vector.broadcast %reduce_sum3A_251 : f32 to vector<16xf32>
      %select_n3A_253 = arith.select %eq3A_246, %broadcast_in_dim3A_252, %select_n3A_170 : vector<16xi1>, vector<16xf32>
      %select_n3A_254 = arith.select %eq3A_221, %div3A_230, %broadcast_in_dim3A_9 : vector<16xi1>, vector<16xf32>
      %reduce_sum3A_255 = arith.constant true
      %reduce_sum3A_256 = vector.broadcast %reduce_sum3A_255 : i1 to vector<16xi1>
      %reduce_sum3A_257 = tpu.scan <sum>, %select_n3A_254 masked %reduce_sum3A_256 : vector<16xf32>, vector<16xi1> -> vector<16xf32>
      %reduce_sum3A_258 = vector.extract %reduce_sum3A_257[15] : f32 from vector<16xf32>
      %broadcast_in_dim3A_259 = vector.broadcast %reduce_sum3A_258 : f32 to vector<16xf32>
      %select_n3A_260 = arith.select %eq3A_246, %broadcast_in_dim3A_259, %select_n3A_177 : vector<16xi1>, vector<16xf32>
      %broadcast_in_dim3A_261 = vector.broadcast %reduce_min3A_201 : f32 to vector<16xf32>
      %select_n3A_262 = arith.select %eq3A_246, %broadcast_in_dim3A_261, %select_n3A_179 : vector<16xi1>, vector<16xf32>
      %broadcast_in_dim3A_263 = vector.broadcast %reduce_min3A_219 : f32 to vector<16xf32>
      %select_n3A_264 = arith.select %eq3A_246, %broadcast_in_dim3A_263, %select_n3A_181 : vector<16xi1>, vector<16xf32>
      %mul3A_265 = arith.constant 16 : i32
      %mul3A_266 = arith.muli %scan3A_23, %mul3A_265 : i32
      %add3A_267 = arith.constant 3 : i32
      %add3A_268 = arith.addi %mul3A_266, %add3A_267 : i32
      %get3A_269 = arith.index_cast %add3A_268 : i32 to index
      %get3A_270 = arith.constant 0 : index
      %get3A_271 = tpu.vector_load %arg7[%get3A_269, %get3A_270] {strides = array<i32>} : memref<512x16xf32, #tpu.memory_space<vmem>>, vector<16xf32>,
      %reduce_max3A_272 = arith.constant true
      %reduce_max3A_273 = vector.broadcast %reduce_max3A_272 : i1 to vector<16xi1>
      %reduce_max3A_274 = tpu.scan <max>, %get3A_271 masked %reduce_max3A_273 : vector<16xf32>, vector<16xi1> -> vector<16xf32>
      %reduce_max3A_275 = vector.extract %reduce_max3A_274[15] : f32 from vector<16xf32>
      %eq3A_276 = vector.broadcast %reduce_max3A_275 : f32 to vector<16xf32>
      %eq3A_277 = arith.cmpf oeq, %get3A_271, %eq3A_276 : vector<16xf32>
      %jit3A_278 = arith.constant 1.600000e+01 : f32
      %broadcast_in_dim3A_279 = vector.broadcast %jit3A_278 : f32 to vector<16xf32>
      %select_n3A_280 = arith.select %eq3A_277, %convert_element_type3A, %broadcast_in_dim3A_279 : vector<16xi1>, vector<16xf32>
      %reduce_min3A_281 = arith.constant true
      %reduce_min3A_282 = vector.broadcast %reduce_min3A_281 : i1 to vector<16xi1>
      %reduce_min3A_283 = tpu.scan <min>, %select_n3A_280 masked %reduce_min3A_282 : vector<16xf32>, vector<16xi1> -> vector<16xf32>
      %reduce_min3A_284 = vector.extract %reduce_min3A_283[15] : f32 from vector<16xf32>
      %eq3A_285 = vector.broadcast %reduce_min3A_284 : f32 to vector<16xf32>
      %eq3A_286 = arith.cmpf oeq, %convert_element_type3A, %eq3A_285 : vector<16xf32>
      %jit3A_287 = arith.constant 0xFF800000 : f32
      %broadcast_in_dim3A_288 = vector.broadcast %jit3A_287 : f32 to vector<16xf32>
      %select_n3A_289 = arith.select %eq3A_286, %broadcast_in_dim3A_288, %get3A_271 : vector<16xi1>, vector<16xf32>
      %reduce_max3A_290 = arith.constant true
      %reduce_max3A_291 = vector.broadcast %reduce_max3A_290 : i1 to vector<16xi1>
      %reduce_max3A_292 = tpu.scan <max>, %select_n3A_289 masked %reduce_max3A_291 : vector<16xf32>, vector<16xi1> -> vector<16xf32>
      %reduce_max3A_293 = vector.extract %reduce_max3A_292[15] : f32 from vector<16xf32>
      %eq3A_294 = vector.broadcast %reduce_max3A_293 : f32 to vector<16xf32>
      %eq3A_295 = arith.cmpf oeq, %select_n3A_289, %eq3A_294 : vector<16xf32>
      %jit3A_296 = arith.constant 1.600000e+01 : f32
      %broadcast_in_dim3A_297 = vector.broadcast %jit3A_296 : f32 to vector<16xf32>
      %select_n3A_298 = arith.select %eq3A_295, %convert_element_type3A, %broadcast_in_dim3A_297 : vector<16xi1>, vector<16xf32>
      %reduce_min3A_299 = arith.constant true
      %reduce_min3A_300 = vector.broadcast %reduce_min3A_299 : i1 to vector<16xi1>
      %reduce_min3A_301 = tpu.scan <min>, %select_n3A_298 masked %reduce_min3A_300 : vector<16xf32>, vector<16xi1> -> vector<16xf32>
      %reduce_min3A_302 = vector.extract %reduce_min3A_301[15] : f32 from vector<16xf32>
      %eq3A_303 = vector.broadcast %reduce_min3A_302 : f32 to vector<16xf32>
      %eq3A_304 = arith.cmpf oeq, %convert_element_type3A, %eq3A_303 : vector<16xf32>
      %sub3A_305 = vector.broadcast %reduce_max3A_275 : f32 to vector<16xf32>
      %sub3A_306 = arith.subf %get3A_271, %sub3A_305 : vector<16xf32>
      %exp3A_307 = math.exp %sub3A_306 : vector<16xf32>
      %reduce_sum3A_308 = arith.constant true
      %reduce_sum3A_309 = vector.broadcast %reduce_sum3A_308 : i1 to vector<16xi1>
      %reduce_sum3A_310 = tpu.scan <sum>, %exp3A_307 masked %reduce_sum3A_309 : vector<16xf32>, vector<16xi1> -> vector<16xf32>
      %reduce_sum3A_311 = vector.extract %reduce_sum3A_310[15] : f32 from vector<16xf32>
      %div3A_312 = vector.broadcast %reduce_sum3A_311 : f32 to vector<16xf32>
      %div3A_313 = arith.divf %exp3A_307, %div3A_312 : vector<16xf32>
      %add3A_314 = arith.addf %add3A_231, %div3A_313 : vector<16xf32>
      %jit3A_315 = arith.constant 1.000000e+00 : f32
      %jit3A_316 = arith.constant 0.000000e+00 : f32
      %broadcast_in_dim3A_317 = vector.broadcast %jit3A_315 : f32 to vector<16xf32>
      %broadcast_in_dim3A_318 = vector.broadcast %jit3A_316 : f32 to vector<16xf32>
      %select_n3A_319 = arith.select %eq3A_286, %broadcast_in_dim3A_317, %broadcast_in_dim3A_318 : vector<16xi1>, vector<16xf32>
      %add3A_320 = arith.addf %add3A_243, %select_n3A_319 : vector<16xf32>
      %jit3A_321 = arith.constant 1.000000e+00 : f32
      %jit3A_322 = arith.constant 0.000000e+00 : f32
      %broadcast_in_dim3A_323 = vector.broadcast %jit3A_321 : f32 to vector<16xf32>
      %broadcast_in_dim3A_324 = vector.broadcast %jit3A_322 : f32 to vector<16xf32>
      %select_n3A_325 = arith.select %eq3A_304, %broadcast_in_dim3A_323, %broadcast_in_dim3A_324 : vector<16xi1>, vector<16xf32>
      %add3A_326 = arith.addf %add3A_320, %select_n3A_325 : vector<16xf32>
      %eq3A_327 = arith.constant 3 : i32
      %eq3A_328 = vector.broadcast %eq3A_327 : i32 to vector<16xi32>
      %eq3A_329 = arith.cmpi eq, %iota3A, %eq3A_328 : vector<16xi32>
      %select_n3A_330 = arith.select %eq3A_286, %div3A_313, %broadcast_in_dim3A_9 : vector<16xi1>, vector<16xf32>
      %reduce_sum3A_331 = arith.constant true
      %reduce_sum3A_332 = vector.broadcast %reduce_sum3A_331 : i1 to vector<16xi1>
      %reduce_sum3A_333 = tpu.scan <sum>, %select_n3A_330 masked %reduce_sum3A_332 : vector<16xf32>, vector<16xi1> -> vector<16xf32>
      %reduce_sum3A_334 = vector.extract %reduce_sum3A_333[15] : f32 from vector<16xf32>
      %broadcast_in_dim3A_335 = vector.broadcast %reduce_sum3A_334 : f32 to vector<16xf32>
      %select_n3A_336 = arith.select %eq3A_329, %broadcast_in_dim3A_335, %select_n3A_253 : vector<16xi1>, vector<16xf32>
      %select_n3A_337 = arith.select %eq3A_304, %div3A_313, %broadcast_in_dim3A_9 : vector<16xi1>, vector<16xf32>
      %reduce_sum3A_338 = arith.constant true
      %reduce_sum3A_339 = vector.broadcast %reduce_sum3A_338 : i1 to vector<16xi1>
      %reduce_sum3A_340 = tpu.scan <sum>, %select_n3A_337 masked %reduce_sum3A_339 : vector<16xf32>, vector<16xi1> -> vector<16xf32>
      %reduce_sum3A_341 = vector.extract %reduce_sum3A_340[15] : f32 from vector<16xf32>
      %broadcast_in_dim3A_342 = vector.broadcast %reduce_sum3A_341 : f32 to vector<16xf32>
      %select_n3A_343 = arith.select %eq3A_329, %broadcast_in_dim3A_342, %select_n3A_260 : vector<16xi1>, vector<16xf32>
      %broadcast_in_dim3A_344 = vector.broadcast %reduce_min3A_284 : f32 to vector<16xf32>
      %select_n3A_345 = arith.select %eq3A_329, %broadcast_in_dim3A_344, %select_n3A_262 : vector<16xi1>, vector<16xf32>
      %broadcast_in_dim3A_346 = vector.broadcast %reduce_min3A_302 : f32 to vector<16xf32>
      %select_n3A_347 = arith.select %eq3A_329, %broadcast_in_dim3A_346, %select_n3A_264 : vector<16xi1>, vector<16xf32>
      %mul3A_348 = arith.constant 16 : i32
      %mul3A_349 = arith.muli %scan3A_23, %mul3A_348 : i32
      %add3A_350 = arith.constant 4 : i32
      %add3A_351 = arith.addi %mul3A_349, %add3A_350 : i32
      %get3A_352 = arith.index_cast %add3A_351 : i32 to index
      %get3A_353 = arith.constant 0 : index
      %get3A_354 = tpu.vector_load %arg7[%get3A_352, %get3A_353] {strides = array<i32>} : memref<512x16xf32, #tpu.memory_space<vmem>>, vector<16xf32>,
      %reduce_max3A_355 = arith.constant true
      %reduce_max3A_356 = vector.broadcast %reduce_max3A_355 : i1 to vector<16xi1>
      %reduce_max3A_357 = tpu.scan <max>, %get3A_354 masked %reduce_max3A_356 : vector<16xf32>, vector<16xi1> -> vector<16xf32>
      %reduce_max3A_358 = vector.extract %reduce_max3A_357[15] : f32 from vector<16xf32>
      %eq3A_359 = vector.broadcast %reduce_max3A_358 : f32 to vector<16xf32>
      %eq3A_360 = arith.cmpf oeq, %get3A_354, %eq3A_359 : vector<16xf32>
      %jit3A_361 = arith.constant 1.600000e+01 : f32
      %broadcast_in_dim3A_362 = vector.broadcast %jit3A_361 : f32 to vector<16xf32>
      %select_n3A_363 = arith.select %eq3A_360, %convert_element_type3A, %broadcast_in_dim3A_362 : vector<16xi1>, vector<16xf32>
      %reduce_min3A_364 = arith.constant true
      %reduce_min3A_365 = vector.broadcast %reduce_min3A_364 : i1 to vector<16xi1>
      %reduce_min3A_366 = tpu.scan <min>, %select_n3A_363 masked %reduce_min3A_365 : vector<16xf32>, vector<16xi1> -> vector<16xf32>
      %reduce_min3A_367 = vector.extract %reduce_min3A_366[15] : f32 from vector<16xf32>
      %eq3A_368 = vector.broadcast %reduce_min3A_367 : f32 to vector<16xf32>
      %eq3A_369 = arith.cmpf oeq, %convert_element_type3A, %eq3A_368 : vector<16xf32>
      %jit3A_370 = arith.constant 0xFF800000 : f32
      %broadcast_in_dim3A_371 = vector.broadcast %jit3A_370 : f32 to vector<16xf32>
      %select_n3A_372 = arith.select %eq3A_369, %broadcast_in_dim3A_371, %get3A_354 : vector<16xi1>, vector<16xf32>
      %reduce_max3A_373 = arith.constant true
      %reduce_max3A_374 = vector.broadcast %reduce_max3A_373 : i1 to vector<16xi1>
      %reduce_max3A_375 = tpu.scan <max>, %select_n3A_372 masked %reduce_max3A_374 : vector<16xf32>, vector<16xi1> -> vector<16xf32>
      %reduce_max3A_376 = vector.extract %reduce_max3A_375[15] : f32 from vector<16xf32>
      %eq3A_377 = vector.broadcast %reduce_max3A_376 : f32 to vector<16xf32>
      %eq3A_378 = arith.cmpf oeq, %select_n3A_372, %eq3A_377 : vector<16xf32>
      %jit3A_379 = arith.constant 1.600000e+01 : f32
      %broadcast_in_dim3A_380 = vector.broadcast %jit3A_379 : f32 to vector<16xf32>
      %select_n3A_381 = arith.select %eq3A_378, %convert_element_type3A, %broadcast_in_dim3A_380 : vector<16xi1>, vector<16xf32>
      %reduce_min3A_382 = arith.constant true
      %reduce_min3A_383 = vector.broadcast %reduce_min3A_382 : i1 to vector<16xi1>
      %reduce_min3A_384 = tpu.scan <min>, %select_n3A_381 masked %reduce_min3A_383 : vector<16xf32>, vector<16xi1> -> vector<16xf32>
      %reduce_min3A_385 = vector.extract %reduce_min3A_384[15] : f32 from vector<16xf32>
      %eq3A_386 = vector.broadcast %reduce_min3A_385 : f32 to vector<16xf32>
      %eq3A_387 = arith.cmpf oeq, %convert_element_type3A, %eq3A_386 : vector<16xf32>
      %sub3A_388 = vector.broadcast %reduce_max3A_358 : f32 to vector<16xf32>
      %sub3A_389 = arith.subf %get3A_354, %sub3A_388 : vector<16xf32>
      %exp3A_390 = math.exp %sub3A_389 : vector<16xf32>
      %reduce_sum3A_391 = arith.constant true
      %reduce_sum3A_392 = vector.broadcast %reduce_sum3A_391 : i1 to vector<16xi1>
      %reduce_sum3A_393 = tpu.scan <sum>, %exp3A_390 masked %reduce_sum3A_392 : vector<16xf32>, vector<16xi1> -> vector<16xf32>
      %reduce_sum3A_394 = vector.extract %reduce_sum3A_393[15] : f32 from vector<16xf32>
      %div3A_395 = vector.broadcast %reduce_sum3A_394 : f32 to vector<16xf32>
      %div3A_396 = arith.divf %exp3A_390, %div3A_395 : vector<16xf32>
      %add3A_397 = arith.addf %add3A_314, %div3A_396 : vector<16xf32>
      %jit3A_398 = arith.constant 1.000000e+00 : f32
      %jit3A_399 = arith.constant 0.000000e+00 : f32
      %broadcast_in_dim3A_400 = vector.broadcast %jit3A_398 : f32 to vector<16xf32>
      %broadcast_in_dim3A_401 = vector.broadcast %jit3A_399 : f32 to vector<16xf32>
      %select_n3A_402 = arith.select %eq3A_369, %broadcast_in_dim3A_400, %broadcast_in_dim3A_401 : vector<16xi1>, vector<16xf32>
      %add3A_403 = arith.addf %add3A_326, %select_n3A_402 : vector<16xf32>
      %jit3A_404 = arith.constant 1.000000e+00 : f32
      %jit3A_405 = arith.constant 0.000000e+00 : f32
      %broadcast_in_dim3A_406 = vector.broadcast %jit3A_404 : f32 to vector<16xf32>
      %broadcast_in_dim3A_407 = vector.broadcast %jit3A_405 : f32 to vector<16xf32>
      %select_n3A_408 = arith.select %eq3A_387, %broadcast_in_dim3A_406, %broadcast_in_dim3A_407 : vector<16xi1>, vector<16xf32>
      %add3A_409 = arith.addf %add3A_403, %select_n3A_408 : vector<16xf32>
      %eq3A_410 = arith.constant 4 : i32
      %eq3A_411 = vector.broadcast %eq3A_410 : i32 to vector<16xi32>
      %eq3A_412 = arith.cmpi eq, %iota3A, %eq3A_411 : vector<16xi32>
      %select_n3A_413 = arith.select %eq3A_369, %div3A_396, %broadcast_in_dim3A_9 : vector<16xi1>, vector<16xf32>
      %reduce_sum3A_414 = arith.constant true
      %reduce_sum3A_415 = vector.broadcast %reduce_sum3A_414 : i1 to vector<16xi1>
      %reduce_sum3A_416 = tpu.scan <sum>, %select_n3A_413 masked %reduce_sum3A_415 : vector<16xf32>, vector<16xi1> -> vector<16xf32>
      %reduce_sum3A_417 = vector.extract %reduce_sum3A_416[15] : f32 from vector<16xf32>
      %broadcast_in_dim3A_418 = vector.broadcast %reduce_sum3A_417 : f32 to vector<16xf32>
      %select_n3A_419 = arith.select %eq3A_412, %broadcast_in_dim3A_418, %select_n3A_336 : vector<16xi1>, vector<16xf32>
      %select_n3A_420 = arith.select %eq3A_387, %div3A_396, %broadcast_in_dim3A_9 : vector<16xi1>, vector<16xf32>
      %reduce_sum3A_421 = arith.constant true
      %reduce_sum3A_422 = vector.broadcast %reduce_sum3A_421 : i1 to vector<16xi1>
      %reduce_sum3A_423 = tpu.scan <sum>, %select_n3A_420 masked %reduce_sum3A_422 : vector<16xf32>, vector<16xi1> -> vector<16xf32>
      %reduce_sum3A_424 = vector.extract %reduce_sum3A_423[15] : f32 from vector<16xf32>
      %broadcast_in_dim3A_425 = vector.broadcast %reduce_sum3A_424 : f32 to vector<16xf32>
      %select_n3A_426 = arith.select %eq3A_412, %broadcast_in_dim3A_425, %select_n3A_343 : vector<16xi1>, vector<16xf32>
      %broadcast_in_dim3A_427 = vector.broadcast %reduce_min3A_367 : f32 to vector<16xf32>
      %select_n3A_428 = arith.select %eq3A_412, %broadcast_in_dim3A_427, %select_n3A_345 : vector<16xi1>, vector<16xf32>
      %broadcast_in_dim3A_429 = vector.broadcast %reduce_min3A_385 : f32 to vector<16xf32>
      %select_n3A_430 = arith.select %eq3A_412, %broadcast_in_dim3A_429, %select_n3A_347 : vector<16xi1>, vector<16xf32>
      %mul3A_431 = arith.constant 16 : i32
      %mul3A_432 = arith.muli %scan3A_23, %mul3A_431 : i32
      %add3A_433 = arith.constant 5 : i32
      %add3A_434 = arith.addi %mul3A_432, %add3A_433 : i32
      %get3A_435 = arith.index_cast %add3A_434 : i32 to index
      %get3A_436 = arith.constant 0 : index
      %get3A_437 = tpu.vector_load %arg7[%get3A_435, %get3A_436] {strides = array<i32>} : memref<512x16xf32, #tpu.memory_space<vmem>>, vector<16xf32>,
      %reduce_max3A_438 = arith.constant true
      %reduce_max3A_439 = vector.broadcast %reduce_max3A_438 : i1 to vector<16xi1>
      %reduce_max3A_440 = tpu.scan <max>, %get3A_437 masked %reduce_max3A_439 : vector<16xf32>, vector<16xi1> -> vector<16xf32>
      %reduce_max3A_441 = vector.extract %reduce_max3A_440[15] : f32 from vector<16xf32>
      %eq3A_442 = vector.broadcast %reduce_max3A_441 : f32 to vector<16xf32>
      %eq3A_443 = arith.cmpf oeq, %get3A_437, %eq3A_442 : vector<16xf32>
      %jit3A_444 = arith.constant 1.600000e+01 : f32
      %broadcast_in_dim3A_445 = vector.broadcast %jit3A_444 : f32 to vector<16xf32>
      %select_n3A_446 = arith.select %eq3A_443, %convert_element_type3A, %broadcast_in_dim3A_445 : vector<16xi1>, vector<16xf32>
      %reduce_min3A_447 = arith.constant true
      %reduce_min3A_448 = vector.broadcast %reduce_min3A_447 : i1 to vector<16xi1>
      %reduce_min3A_449 = tpu.scan <min>, %select_n3A_446 masked %reduce_min3A_448 : vector<16xf32>, vector<16xi1> -> vector<16xf32>
      %reduce_min3A_450 = vector.extract %reduce_min3A_449[15] : f32 from vector<16xf32>
      %eq3A_451 = vector.broadcast %reduce_min3A_450 : f32 to vector<16xf32>
      %eq3A_452 = arith.cmpf oeq, %convert_element_type3A, %eq3A_451 : vector<16xf32>
      %jit3A_453 = arith.constant 0xFF800000 : f32
      %broadcast_in_dim3A_454 = vector.broadcast %jit3A_453 : f32 to vector<16xf32>
      %select_n3A_455 = arith.select %eq3A_452, %broadcast_in_dim3A_454, %get3A_437 : vector<16xi1>, vector<16xf32>
      %reduce_max3A_456 = arith.constant true
      %reduce_max3A_457 = vector.broadcast %reduce_max3A_456 : i1 to vector<16xi1>
      %reduce_max3A_458 = tpu.scan <max>, %select_n3A_455 masked %reduce_max3A_457 : vector<16xf32>, vector<16xi1> -> vector<16xf32>
      %reduce_max3A_459 = vector.extract %reduce_max3A_458[15] : f32 from vector<16xf32>
      %eq3A_460 = vector.broadcast %reduce_max3A_459 : f32 to vector<16xf32>
      %eq3A_461 = arith.cmpf oeq, %select_n3A_455, %eq3A_460 : vector<16xf32>
      %jit3A_462 = arith.constant 1.600000e+01 : f32
      %broadcast_in_dim3A_463 = vector.broadcast %jit3A_462 : f32 to vector<16xf32>
      %select_n3A_464 = arith.select %eq3A_461, %convert_element_type3A, %broadcast_in_dim3A_463 : vector<16xi1>, vector<16xf32>
      %reduce_min3A_465 = arith.constant true
      %reduce_min3A_466 = vector.broadcast %reduce_min3A_465 : i1 to vector<16xi1>
      %reduce_min3A_467 = tpu.scan <min>, %select_n3A_464 masked %reduce_min3A_466 : vector<16xf32>, vector<16xi1> -> vector<16xf32>
      %reduce_min3A_468 = vector.extract %reduce_min3A_467[15] : f32 from vector<16xf32>
      %eq3A_469 = vector.broadcast %reduce_min3A_468 : f32 to vector<16xf32>
      %eq3A_470 = arith.cmpf oeq, %convert_element_type3A, %eq3A_469 : vector<16xf32>
      %sub3A_471 = vector.broadcast %reduce_max3A_441 : f32 to vector<16xf32>
      %sub3A_472 = arith.subf %get3A_437, %sub3A_471 : vector<16xf32>
      %exp3A_473 = math.exp %sub3A_472 : vector<16xf32>
      %reduce_sum3A_474 = arith.constant true
      %reduce_sum3A_475 = vector.broadcast %reduce_sum3A_474 : i1 to vector<16xi1>
      %reduce_sum3A_476 = tpu.scan <sum>, %exp3A_473 masked %reduce_sum3A_475 : vector<16xf32>, vector<16xi1> -> vector<16xf32>
      %reduce_sum3A_477 = vector.extract %reduce_sum3A_476[15] : f32 from vector<16xf32>
      %div3A_478 = vector.broadcast %reduce_sum3A_477 : f32 to vector<16xf32>
      %div3A_479 = arith.divf %exp3A_473, %div3A_478 : vector<16xf32>
      %add3A_480 = arith.addf %add3A_397, %div3A_479 : vector<16xf32>
      %jit3A_481 = arith.constant 1.000000e+00 : f32
      %jit3A_482 = arith.constant 0.000000e+00 : f32
      %broadcast_in_dim3A_483 = vector.broadcast %jit3A_481 : f32 to vector<16xf32>
      %broadcast_in_dim3A_484 = vector.broadcast %jit3A_482 : f32 to vector<16xf32>
      %select_n3A_485 = arith.select %eq3A_452, %broadcast_in_dim3A_483, %broadcast_in_dim3A_484 : vector<16xi1>, vector<16xf32>
      %add3A_486 = arith.addf %add3A_409, %select_n3A_485 : vector<16xf32>
      %jit3A_487 = arith.constant 1.000000e+00 : f32
      %jit3A_488 = arith.constant 0.000000e+00 : f32
      %broadcast_in_dim3A_489 = vector.broadcast %jit3A_487 : f32 to vector<16xf32>
      %broadcast_in_dim3A_490 = vector.broadcast %jit3A_488 : f32 to vector<16xf32>
      %select_n3A_491 = arith.select %eq3A_470, %broadcast_in_dim3A_489, %broadcast_in_dim3A_490 : vector<16xi1>, vector<16xf32>
      %add3A_492 = arith.addf %add3A_486, %select_n3A_491 : vector<16xf32>
      %eq3A_493 = arith.constant 5 : i32
      %eq3A_494 = vector.broadcast %eq3A_493 : i32 to vector<16xi32>
      %eq3A_495 = arith.cmpi eq, %iota3A, %eq3A_494 : vector<16xi32>
      %select_n3A_496 = arith.select %eq3A_452, %div3A_479, %broadcast_in_dim3A_9 : vector<16xi1>, vector<16xf32>
      %reduce_sum3A_497 = arith.constant true
      %reduce_sum3A_498 = vector.broadcast %reduce_sum3A_497 : i1 to vector<16xi1>
      %reduce_sum3A_499 = tpu.scan <sum>, %select_n3A_496 masked %reduce_sum3A_498 : vector<16xf32>, vector<16xi1> -> vector<16xf32>
      %reduce_sum3A_500 = vector.extract %reduce_sum3A_499[15] : f32 from vector<16xf32>
      %broadcast_in_dim3A_501 = vector.broadcast %reduce_sum3A_500 : f32 to vector<16xf32>
      %select_n3A_502 = arith.select %eq3A_495, %broadcast_in_dim3A_501, %select_n3A_419 : vector<16xi1>, vector<16xf32>
      %select_n3A_503 = arith.select %eq3A_470, %div3A_479, %broadcast_in_dim3A_9 : vector<16xi1>, vector<16xf32>
      %reduce_sum3A_504 = arith.constant true
      %reduce_sum3A_505 = vector.broadcast %reduce_sum3A_504 : i1 to vector<16xi1>
      %reduce_sum3A_506 = tpu.scan <sum>, %select_n3A_503 masked %reduce_sum3A_505 : vector<16xf32>, vector<16xi1> -> vector<16xf32>
      %reduce_sum3A_507 = vector.extract %reduce_sum3A_506[15] : f32 from vector<16xf32>
      %broadcast_in_dim3A_508 = vector.broadcast %reduce_sum3A_507 : f32 to vector<16xf32>
      %select_n3A_509 = arith.select %eq3A_495, %broadcast_in_dim3A_508, %select_n3A_426 : vector<16xi1>, vector<16xf32>
      %broadcast_in_dim3A_510 = vector.broadcast %reduce_min3A_450 : f32 to vector<16xf32>
      %select_n3A_511 = arith.select %eq3A_495, %broadcast_in_dim3A_510, %select_n3A_428 : vector<16xi1>, vector<16xf32>
      %broadcast_in_dim3A_512 = vector.broadcast %reduce_min3A_468 : f32 to vector<16xf32>
      %select_n3A_513 = arith.select %eq3A_495, %broadcast_in_dim3A_512, %select_n3A_430 : vector<16xi1>, vector<16xf32>
      %mul3A_514 = arith.constant 16 : i32
      %mul3A_515 = arith.muli %scan3A_23, %mul3A_514 : i32
      %add3A_516 = arith.constant 6 : i32
      %add3A_517 = arith.addi %mul3A_515, %add3A_516 : i32
      %get3A_518 = arith.index_cast %add3A_517 : i32 to index
      %get3A_519 = arith.constant 0 : index
      %get3A_520 = tpu.vector_load %arg7[%get3A_518, %get3A_519] {strides = array<i32>} : memref<512x16xf32, #tpu.memory_space<vmem>>, vector<16xf32>,
      %reduce_max3A_521 = arith.constant true
      %reduce_max3A_522 = vector.broadcast %reduce_max3A_521 : i1 to vector<16xi1>
      %reduce_max3A_523 = tpu.scan <max>, %get3A_520 masked %reduce_max3A_522 : vector<16xf32>, vector<16xi1> -> vector<16xf32>
      %reduce_max3A_524 = vector.extract %reduce_max3A_523[15] : f32 from vector<16xf32>
      %eq3A_525 = vector.broadcast %reduce_max3A_524 : f32 to vector<16xf32>
      %eq3A_526 = arith.cmpf oeq, %get3A_520, %eq3A_525 : vector<16xf32>
      %jit3A_527 = arith.constant 1.600000e+01 : f32
      %broadcast_in_dim3A_528 = vector.broadcast %jit3A_527 : f32 to vector<16xf32>
      %select_n3A_529 = arith.select %eq3A_526, %convert_element_type3A, %broadcast_in_dim3A_528 : vector<16xi1>, vector<16xf32>
      %reduce_min3A_530 = arith.constant true
      %reduce_min3A_531 = vector.broadcast %reduce_min3A_530 : i1 to vector<16xi1>
      %reduce_min3A_532 = tpu.scan <min>, %select_n3A_529 masked %reduce_min3A_531 : vector<16xf32>, vector<16xi1> -> vector<16xf32>
      %reduce_min3A_533 = vector.extract %reduce_min3A_532[15] : f32 from vector<16xf32>
      %eq3A_534 = vector.broadcast %reduce_min3A_533 : f32 to vector<16xf32>
      %eq3A_535 = arith.cmpf oeq, %convert_element_type3A, %eq3A_534 : vector<16xf32>
      %jit3A_536 = arith.constant 0xFF800000 : f32
      %broadcast_in_dim3A_537 = vector.broadcast %jit3A_536 : f32 to vector<16xf32>
      %select_n3A_538 = arith.select %eq3A_535, %broadcast_in_dim3A_537, %get3A_520 : vector<16xi1>, vector<16xf32>
      %reduce_max3A_539 = arith.constant true
      %reduce_max3A_540 = vector.broadcast %reduce_max3A_539 : i1 to vector<16xi1>
      %reduce_max3A_541 = tpu.scan <max>, %select_n3A_538 masked %reduce_max3A_540 : vector<16xf32>, vector<16xi1> -> vector<16xf32>
      %reduce_max3A_542 = vector.extract %reduce_max3A_541[15] : f32 from vector<16xf32>
      %eq3A_543 = vector.broadcast %reduce_max3A_542 : f32 to vector<16xf32>
      %eq3A_544 = arith.cmpf oeq, %select_n3A_538, %eq3A_543 : vector<16xf32>
      %jit3A_545 = arith.constant 1.600000e+01 : f32
      %broadcast_in_dim3A_546 = vector.broadcast %jit3A_545 : f32 to vector<16xf32>
      %select_n3A_547 = arith.select %eq3A_544, %convert_element_type3A, %broadcast_in_dim3A_546 : vector<16xi1>, vector<16xf32>
      %reduce_min3A_548 = arith.constant true
      %reduce_min3A_549 = vector.broadcast %reduce_min3A_548 : i1 to vector<16xi1>
      %reduce_min3A_550 = tpu.scan <min>, %select_n3A_547 masked %reduce_min3A_549 : vector<16xf32>, vector<16xi1> -> vector<16xf32>
      %reduce_min3A_551 = vector.extract %reduce_min3A_550[15] : f32 from vector<16xf32>
      %eq3A_552 = vector.broadcast %reduce_min3A_551 : f32 to vector<16xf32>
      %eq3A_553 = arith.cmpf oeq, %convert_element_type3A, %eq3A_552 : vector<16xf32>
      %sub3A_554 = vector.broadcast %reduce_max3A_524 : f32 to vector<16xf32>
      %sub3A_555 = arith.subf %get3A_520, %sub3A_554 : vector<16xf32>
      %exp3A_556 = math.exp %sub3A_555 : vector<16xf32>
      %reduce_sum3A_557 = arith.constant true
      %reduce_sum3A_558 = vector.broadcast %reduce_sum3A_557 : i1 to vector<16xi1>
      %reduce_sum3A_559 = tpu.scan <sum>, %exp3A_556 masked %reduce_sum3A_558 : vector<16xf32>, vector<16xi1> -> vector<16xf32>
      %reduce_sum3A_560 = vector.extract %reduce_sum3A_559[15] : f32 from vector<16xf32>
      %div3A_561 = vector.broadcast %reduce_sum3A_560 : f32 to vector<16xf32>
      %div3A_562 = arith.divf %exp3A_556, %div3A_561 : vector<16xf32>
      %add3A_563 = arith.addf %add3A_480, %div3A_562 : vector<16xf32>
      %jit3A_564 = arith.constant 1.000000e+00 : f32
      %jit3A_565 = arith.constant 0.000000e+00 : f32
      %broadcast_in_dim3A_566 = vector.broadcast %jit3A_564 : f32 to vector<16xf32>
      %broadcast_in_dim3A_567 = vector.broadcast %jit3A_565 : f32 to vector<16xf32>
      %select_n3A_568 = arith.select %eq3A_535, %broadcast_in_dim3A_566, %broadcast_in_dim3A_567 : vector<16xi1>, vector<16xf32>
      %add3A_569 = arith.addf %add3A_492, %select_n3A_568 : vector<16xf32>
      %jit3A_570 = arith.constant 1.000000e+00 : f32
      %jit3A_571 = arith.constant 0.000000e+00 : f32
      %broadcast_in_dim3A_572 = vector.broadcast %jit3A_570 : f32 to vector<16xf32>
      %broadcast_in_dim3A_573 = vector.broadcast %jit3A_571 : f32 to vector<16xf32>
      %select_n3A_574 = arith.select %eq3A_553, %broadcast_in_dim3A_572, %broadcast_in_dim3A_573 : vector<16xi1>, vector<16xf32>
      %add3A_575 = arith.addf %add3A_569, %select_n3A_574 : vector<16xf32>
      %eq3A_576 = arith.constant 6 : i32
      %eq3A_577 = vector.broadcast %eq3A_576 : i32 to vector<16xi32>
      %eq3A_578 = arith.cmpi eq, %iota3A, %eq3A_577 : vector<16xi32>
      %select_n3A_579 = arith.select %eq3A_535, %div3A_562, %broadcast_in_dim3A_9 : vector<16xi1>, vector<16xf32>
      %reduce_sum3A_580 = arith.constant true
      %reduce_sum3A_581 = vector.broadcast %reduce_sum3A_580 : i1 to vector<16xi1>
      %reduce_sum3A_582 = tpu.scan <sum>, %select_n3A_579 masked %reduce_sum3A_581 : vector<16xf32>, vector<16xi1> -> vector<16xf32>
      %reduce_sum3A_583 = vector.extract %reduce_sum3A_582[15] : f32 from vector<16xf32>
      %broadcast_in_dim3A_584 = vector.broadcast %reduce_sum3A_583 : f32 to vector<16xf32>
      %select_n3A_585 = arith.select %eq3A_578, %broadcast_in_dim3A_584, %select_n3A_502 : vector<16xi1>, vector<16xf32>
      %select_n3A_586 = arith.select %eq3A_553, %div3A_562, %broadcast_in_dim3A_9 : vector<16xi1>, vector<16xf32>
      %reduce_sum3A_587 = arith.constant true
      %reduce_sum3A_588 = vector.broadcast %reduce_sum3A_587 : i1 to vector<16xi1>
      %reduce_sum3A_589 = tpu.scan <sum>, %select_n3A_586 masked %reduce_sum3A_588 : vector<16xf32>, vector<16xi1> -> vector<16xf32>
      %reduce_sum3A_590 = vector.extract %reduce_sum3A_589[15] : f32 from vector<16xf32>
      %broadcast_in_dim3A_591 = vector.broadcast %reduce_sum3A_590 : f32 to vector<16xf32>
      %select_n3A_592 = arith.select %eq3A_578, %broadcast_in_dim3A_591, %select_n3A_509 : vector<16xi1>, vector<16xf32>
      %broadcast_in_dim3A_593 = vector.broadcast %reduce_min3A_533 : f32 to vector<16xf32>
      %select_n3A_594 = arith.select %eq3A_578, %broadcast_in_dim3A_593, %select_n3A_511 : vector<16xi1>, vector<16xf32>
      %broadcast_in_dim3A_595 = vector.broadcast %reduce_min3A_551 : f32 to vector<16xf32>
      %select_n3A_596 = arith.select %eq3A_578, %broadcast_in_dim3A_595, %select_n3A_513 : vector<16xi1>, vector<16xf32>
      %mul3A_597 = arith.constant 16 : i32
      %mul3A_598 = arith.muli %scan3A_23, %mul3A_597 : i32
      %add3A_599 = arith.constant 7 : i32
      %add3A_600 = arith.addi %mul3A_598, %add3A_599 : i32
      %get3A_601 = arith.index_cast %add3A_600 : i32 to index
      %get3A_602 = arith.constant 0 : index
      %get3A_603 = tpu.vector_load %arg7[%get3A_601, %get3A_602] {strides = array<i32>} : memref<512x16xf32, #tpu.memory_space<vmem>>, vector<16xf32>,
      %reduce_max3A_604 = arith.constant true
      %reduce_max3A_605 = vector.broadcast %reduce_max3A_604 : i1 to vector<16xi1>
      %reduce_max3A_606 = tpu.scan <max>, %get3A_603 masked %reduce_max3A_605 : vector<16xf32>, vector<16xi1> -> vector<16xf32>
      %reduce_max3A_607 = vector.extract %reduce_max3A_606[15] : f32 from vector<16xf32>
      %eq3A_608 = vector.broadcast %reduce_max3A_607 : f32 to vector<16xf32>
      %eq3A_609 = arith.cmpf oeq, %get3A_603, %eq3A_608 : vector<16xf32>
      %jit3A_610 = arith.constant 1.600000e+01 : f32
      %broadcast_in_dim3A_611 = vector.broadcast %jit3A_610 : f32 to vector<16xf32>
      %select_n3A_612 = arith.select %eq3A_609, %convert_element_type3A, %broadcast_in_dim3A_611 : vector<16xi1>, vector<16xf32>
      %reduce_min3A_613 = arith.constant true
      %reduce_min3A_614 = vector.broadcast %reduce_min3A_613 : i1 to vector<16xi1>
      %reduce_min3A_615 = tpu.scan <min>, %select_n3A_612 masked %reduce_min3A_614 : vector<16xf32>, vector<16xi1> -> vector<16xf32>
      %reduce_min3A_616 = vector.extract %reduce_min3A_615[15] : f32 from vector<16xf32>
      %eq3A_617 = vector.broadcast %reduce_min3A_616 : f32 to vector<16xf32>
      %eq3A_618 = arith.cmpf oeq, %convert_element_type3A, %eq3A_617 : vector<16xf32>
      %jit3A_619 = arith.constant 0xFF800000 : f32
      %broadcast_in_dim3A_620 = vector.broadcast %jit3A_619 : f32 to vector<16xf32>
      %select_n3A_621 = arith.select %eq3A_618, %broadcast_in_dim3A_620, %get3A_603 : vector<16xi1>, vector<16xf32>
      %reduce_max3A_622 = arith.constant true
      %reduce_max3A_623 = vector.broadcast %reduce_max3A_622 : i1 to vector<16xi1>
      %reduce_max3A_624 = tpu.scan <max>, %select_n3A_621 masked %reduce_max3A_623 : vector<16xf32>, vector<16xi1> -> vector<16xf32>
      %reduce_max3A_625 = vector.extract %reduce_max3A_624[15] : f32 from vector<16xf32>
      %eq3A_626 = vector.broadcast %reduce_max3A_625 : f32 to vector<16xf32>
      %eq3A_627 = arith.cmpf oeq, %select_n3A_621, %eq3A_626 : vector<16xf32>
      %jit3A_628 = arith.constant 1.600000e+01 : f32
      %broadcast_in_dim3A_629 = vector.broadcast %jit3A_628 : f32 to vector<16xf32>
      %select_n3A_630 = arith.select %eq3A_627, %convert_element_type3A, %broadcast_in_dim3A_629 : vector<16xi1>, vector<16xf32>
      %reduce_min3A_631 = arith.constant true
      %reduce_min3A_632 = vector.broadcast %reduce_min3A_631 : i1 to vector<16xi1>
      %reduce_min3A_633 = tpu.scan <min>, %select_n3A_630 masked %reduce_min3A_632 : vector<16xf32>, vector<16xi1> -> vector<16xf32>
      %reduce_min3A_634 = vector.extract %reduce_min3A_633[15] : f32 from vector<16xf32>
      %eq3A_635 = vector.broadcast %reduce_min3A_634 : f32 to vector<16xf32>
      %eq3A_636 = arith.cmpf oeq, %convert_element_type3A, %eq3A_635 : vector<16xf32>
      %sub3A_637 = vector.broadcast %reduce_max3A_607 : f32 to vector<16xf32>
      %sub3A_638 = arith.subf %get3A_603, %sub3A_637 : vector<16xf32>
      %exp3A_639 = math.exp %sub3A_638 : vector<16xf32>
      %reduce_sum3A_640 = arith.constant true
      %reduce_sum3A_641 = vector.broadcast %reduce_sum3A_640 : i1 to vector<16xi1>
      %reduce_sum3A_642 = tpu.scan <sum>, %exp3A_639 masked %reduce_sum3A_641 : vector<16xf32>, vector<16xi1> -> vector<16xf32>
      %reduce_sum3A_643 = vector.extract %reduce_sum3A_642[15] : f32 from vector<16xf32>
      %div3A_644 = vector.broadcast %reduce_sum3A_643 : f32 to vector<16xf32>
      %div3A_645 = arith.divf %exp3A_639, %div3A_644 : vector<16xf32>
      %add3A_646 = arith.addf %add3A_563, %div3A_645 : vector<16xf32>
      %jit3A_647 = arith.constant 1.000000e+00 : f32
      %jit3A_648 = arith.constant 0.000000e+00 : f32
      %broadcast_in_dim3A_649 = vector.broadcast %jit3A_647 : f32 to vector<16xf32>
      %broadcast_in_dim3A_650 = vector.broadcast %jit3A_648 : f32 to vector<16xf32>
      %select_n3A_651 = arith.select %eq3A_618, %broadcast_in_dim3A_649, %broadcast_in_dim3A_650 : vector<16xi1>, vector<16xf32>
      %add3A_652 = arith.addf %add3A_575, %select_n3A_651 : vector<16xf32>
      %jit3A_653 = arith.constant 1.000000e+00 : f32
      %jit3A_654 = arith.constant 0.000000e+00 : f32
      %broadcast_in_dim3A_655 = vector.broadcast %jit3A_653 : f32 to vector<16xf32>
      %broadcast_in_dim3A_656 = vector.broadcast %jit3A_654 : f32 to vector<16xf32>
      %select_n3A_657 = arith.select %eq3A_636, %broadcast_in_dim3A_655, %broadcast_in_dim3A_656 : vector<16xi1>, vector<16xf32>
      %add3A_658 = arith.addf %add3A_652, %select_n3A_657 : vector<16xf32>
      %eq3A_659 = arith.constant 7 : i32
      %eq3A_660 = vector.broadcast %eq3A_659 : i32 to vector<16xi32>
      %eq3A_661 = arith.cmpi eq, %iota3A, %eq3A_660 : vector<16xi32>
      %select_n3A_662 = arith.select %eq3A_618, %div3A_645, %broadcast_in_dim3A_9 : vector<16xi1>, vector<16xf32>
      %reduce_sum3A_663 = arith.constant true
      %reduce_sum3A_664 = vector.broadcast %reduce_sum3A_663 : i1 to vector<16xi1>
      %reduce_sum3A_665 = tpu.scan <sum>, %select_n3A_662 masked %reduce_sum3A_664 : vector<16xf32>, vector<16xi1> -> vector<16xf32>
      %reduce_sum3A_666 = vector.extract %reduce_sum3A_665[15] : f32 from vector<16xf32>
      %broadcast_in_dim3A_667 = vector.broadcast %reduce_sum3A_666 : f32 to vector<16xf32>
      %select_n3A_668 = arith.select %eq3A_661, %broadcast_in_dim3A_667, %select_n3A_585 : vector<16xi1>, vector<16xf32>
      %select_n3A_669 = arith.select %eq3A_636, %div3A_645, %broadcast_in_dim3A_9 : vector<16xi1>, vector<16xf32>
      %reduce_sum3A_670 = arith.constant true
      %reduce_sum3A_671 = vector.broadcast %reduce_sum3A_670 : i1 to vector<16xi1>
      %reduce_sum3A_672 = tpu.scan <sum>, %select_n3A_669 masked %reduce_sum3A_671 : vector<16xf32>, vector<16xi1> -> vector<16xf32>
      %reduce_sum3A_673 = vector.extract %reduce_sum3A_672[15] : f32 from vector<16xf32>
      %broadcast_in_dim3A_674 = vector.broadcast %reduce_sum3A_673 : f32 to vector<16xf32>
      %select_n3A_675 = arith.select %eq3A_661, %broadcast_in_dim3A_674, %select_n3A_592 : vector<16xi1>, vector<16xf32>
      %broadcast_in_dim3A_676 = vector.broadcast %reduce_min3A_616 : f32 to vector<16xf32>
      %select_n3A_677 = arith.select %eq3A_661, %broadcast_in_dim3A_676, %select_n3A_594 : vector<16xi1>, vector<16xf32>
      %broadcast_in_dim3A_678 = vector.broadcast %reduce_min3A_634 : f32 to vector<16xf32>
      %select_n3A_679 = arith.select %eq3A_661, %broadcast_in_dim3A_678, %select_n3A_596 : vector<16xi1>, vector<16xf32>
      %mul3A_680 = arith.constant 16 : i32
      %mul3A_681 = arith.muli %scan3A_23, %mul3A_680 : i32
      %add3A_682 = arith.constant 8 : i32
      %add3A_683 = arith.addi %mul3A_681, %add3A_682 : i32
      %get3A_684 = arith.index_cast %add3A_683 : i32 to index
      %get3A_685 = arith.constant 0 : index
      %get3A_686 = tpu.vector_load %arg7[%get3A_684, %get3A_685] {strides = array<i32>} : memref<512x16xf32, #tpu.memory_space<vmem>>, vector<16xf32>,
      %reduce_max3A_687 = arith.constant true
      %reduce_max3A_688 = vector.broadcast %reduce_max3A_687 : i1 to vector<16xi1>
      %reduce_max3A_689 = tpu.scan <max>, %get3A_686 masked %reduce_max3A_688 : vector<16xf32>, vector<16xi1> -> vector<16xf32>
      %reduce_max3A_690 = vector.extract %reduce_max3A_689[15] : f32 from vector<16xf32>
      %eq3A_691 = vector.broadcast %reduce_max3A_690 : f32 to vector<16xf32>
      %eq3A_692 = arith.cmpf oeq, %get3A_686, %eq3A_691 : vector<16xf32>
      %jit3A_693 = arith.constant 1.600000e+01 : f32
      %broadcast_in_dim3A_694 = vector.broadcast %jit3A_693 : f32 to vector<16xf32>
      %select_n3A_695 = arith.select %eq3A_692, %convert_element_type3A, %broadcast_in_dim3A_694 : vector<16xi1>, vector<16xf32>
      %reduce_min3A_696 = arith.constant true
      %reduce_min3A_697 = vector.broadcast %reduce_min3A_696 : i1 to vector<16xi1>
      %reduce_min3A_698 = tpu.scan <min>, %select_n3A_695 masked %reduce_min3A_697 : vector<16xf32>, vector<16xi1> -> vector<16xf32>
      %reduce_min3A_699 = vector.extract %reduce_min3A_698[15] : f32 from vector<16xf32>
      %eq3A_700 = vector.broadcast %reduce_min3A_699 : f32 to vector<16xf32>
      %eq3A_701 = arith.cmpf oeq, %convert_element_type3A, %eq3A_700 : vector<16xf32>
      %jit3A_702 = arith.constant 0xFF800000 : f32
      %broadcast_in_dim3A_703 = vector.broadcast %jit3A_702 : f32 to vector<16xf32>
      %select_n3A_704 = arith.select %eq3A_701, %broadcast_in_dim3A_703, %get3A_686 : vector<16xi1>, vector<16xf32>
      %reduce_max3A_705 = arith.constant true
      %reduce_max3A_706 = vector.broadcast %reduce_max3A_705 : i1 to vector<16xi1>
      %reduce_max3A_707 = tpu.scan <max>, %select_n3A_704 masked %reduce_max3A_706 : vector<16xf32>, vector<16xi1> -> vector<16xf32>
      %reduce_max3A_708 = vector.extract %reduce_max3A_707[15] : f32 from vector<16xf32>
      %eq3A_709 = vector.broadcast %reduce_max3A_708 : f32 to vector<16xf32>
      %eq3A_710 = arith.cmpf oeq, %select_n3A_704, %eq3A_709 : vector<16xf32>
      %jit3A_711 = arith.constant 1.600000e+01 : f32
      %broadcast_in_dim3A_712 = vector.broadcast %jit3A_711 : f32 to vector<16xf32>
      %select_n3A_713 = arith.select %eq3A_710, %convert_element_type3A, %broadcast_in_dim3A_712 : vector<16xi1>, vector<16xf32>
      %reduce_min3A_714 = arith.constant true
      %reduce_min3A_715 = vector.broadcast %reduce_min3A_714 : i1 to vector<16xi1>
      %reduce_min3A_716 = tpu.scan <min>, %select_n3A_713 masked %reduce_min3A_715 : vector<16xf32>, vector<16xi1> -> vector<16xf32>
      %reduce_min3A_717 = vector.extract %reduce_min3A_716[15] : f32 from vector<16xf32>
      %eq3A_718 = vector.broadcast %reduce_min3A_717 : f32 to vector<16xf32>
      %eq3A_719 = arith.cmpf oeq, %convert_element_type3A, %eq3A_718 : vector<16xf32>
      %sub3A_720 = vector.broadcast %reduce_max3A_690 : f32 to vector<16xf32>
      %sub3A_721 = arith.subf %get3A_686, %sub3A_720 : vector<16xf32>
      %exp3A_722 = math.exp %sub3A_721 : vector<16xf32>
      %reduce_sum3A_723 = arith.constant true
      %reduce_sum3A_724 = vector.broadcast %reduce_sum3A_723 : i1 to vector<16xi1>
      %reduce_sum3A_725 = tpu.scan <sum>, %exp3A_722 masked %reduce_sum3A_724 : vector<16xf32>, vector<16xi1> -> vector<16xf32>
      %reduce_sum3A_726 = vector.extract %reduce_sum3A_725[15] : f32 from vector<16xf32>
      %div3A_727 = vector.broadcast %reduce_sum3A_726 : f32 to vector<16xf32>
      %div3A_728 = arith.divf %exp3A_722, %div3A_727 : vector<16xf32>
      %add3A_729 = arith.addf %add3A_646, %div3A_728 : vector<16xf32>
      %jit3A_730 = arith.constant 1.000000e+00 : f32
      %jit3A_731 = arith.constant 0.000000e+00 : f32
      %broadcast_in_dim3A_732 = vector.broadcast %jit3A_730 : f32 to vector<16xf32>
      %broadcast_in_dim3A_733 = vector.broadcast %jit3A_731 : f32 to vector<16xf32>
      %select_n3A_734 = arith.select %eq3A_701, %broadcast_in_dim3A_732, %broadcast_in_dim3A_733 : vector<16xi1>, vector<16xf32>
      %add3A_735 = arith.addf %add3A_658, %select_n3A_734 : vector<16xf32>
      %jit3A_736 = arith.constant 1.000000e+00 : f32
      %jit3A_737 = arith.constant 0.000000e+00 : f32
      %broadcast_in_dim3A_738 = vector.broadcast %jit3A_736 : f32 to vector<16xf32>
      %broadcast_in_dim3A_739 = vector.broadcast %jit3A_737 : f32 to vector<16xf32>
      %select_n3A_740 = arith.select %eq3A_719, %broadcast_in_dim3A_738, %broadcast_in_dim3A_739 : vector<16xi1>, vector<16xf32>
      %add3A_741 = arith.addf %add3A_735, %select_n3A_740 : vector<16xf32>
      %eq3A_742 = arith.constant 8 : i32
      %eq3A_743 = vector.broadcast %eq3A_742 : i32 to vector<16xi32>
      %eq3A_744 = arith.cmpi eq, %iota3A, %eq3A_743 : vector<16xi32>
      %select_n3A_745 = arith.select %eq3A_701, %div3A_728, %broadcast_in_dim3A_9 : vector<16xi1>, vector<16xf32>
      %reduce_sum3A_746 = arith.constant true
      %reduce_sum3A_747 = vector.broadcast %reduce_sum3A_746 : i1 to vector<16xi1>
      %reduce_sum3A_748 = tpu.scan <sum>, %select_n3A_745 masked %reduce_sum3A_747 : vector<16xf32>, vector<16xi1> -> vector<16xf32>
      %reduce_sum3A_749 = vector.extract %reduce_sum3A_748[15] : f32 from vector<16xf32>
      %broadcast_in_dim3A_750 = vector.broadcast %reduce_sum3A_749 : f32 to vector<16xf32>
      %select_n3A_751 = arith.select %eq3A_744, %broadcast_in_dim3A_750, %select_n3A_668 : vector<16xi1>, vector<16xf32>
      %select_n3A_752 = arith.select %eq3A_719, %div3A_728, %broadcast_in_dim3A_9 : vector<16xi1>, vector<16xf32>
      %reduce_sum3A_753 = arith.constant true
      %reduce_sum3A_754 = vector.broadcast %reduce_sum3A_753 : i1 to vector<16xi1>
      %reduce_sum3A_755 = tpu.scan <sum>, %select_n3A_752 masked %reduce_sum3A_754 : vector<16xf32>, vector<16xi1> -> vector<16xf32>
      %reduce_sum3A_756 = vector.extract %reduce_sum3A_755[15] : f32 from vector<16xf32>
      %broadcast_in_dim3A_757 = vector.broadcast %reduce_sum3A_756 : f32 to vector<16xf32>
      %select_n3A_758 = arith.select %eq3A_744, %broadcast_in_dim3A_757, %select_n3A_675 : vector<16xi1>, vector<16xf32>
      %broadcast_in_dim3A_759 = vector.broadcast %reduce_min3A_699 : f32 to vector<16xf32>
      %select_n3A_760 = arith.select %eq3A_744, %broadcast_in_dim3A_759, %select_n3A_677 : vector<16xi1>, vector<16xf32>
      %broadcast_in_dim3A_761 = vector.broadcast %reduce_min3A_717 : f32 to vector<16xf32>
      %select_n3A_762 = arith.select %eq3A_744, %broadcast_in_dim3A_761, %select_n3A_679 : vector<16xi1>, vector<16xf32>
      %mul3A_763 = arith.constant 16 : i32
      %mul3A_764 = arith.muli %scan3A_23, %mul3A_763 : i32
      %add3A_765 = arith.constant 9 : i32
      %add3A_766 = arith.addi %mul3A_764, %add3A_765 : i32
      %get3A_767 = arith.index_cast %add3A_766 : i32 to index
      %get3A_768 = arith.constant 0 : index
      %get3A_769 = tpu.vector_load %arg7[%get3A_767, %get3A_768] {strides = array<i32>} : memref<512x16xf32, #tpu.memory_space<vmem>>, vector<16xf32>,
      %reduce_max3A_770 = arith.constant true
      %reduce_max3A_771 = vector.broadcast %reduce_max3A_770 : i1 to vector<16xi1>
      %reduce_max3A_772 = tpu.scan <max>, %get3A_769 masked %reduce_max3A_771 : vector<16xf32>, vector<16xi1> -> vector<16xf32>
      %reduce_max3A_773 = vector.extract %reduce_max3A_772[15] : f32 from vector<16xf32>
      %eq3A_774 = vector.broadcast %reduce_max3A_773 : f32 to vector<16xf32>
      %eq3A_775 = arith.cmpf oeq, %get3A_769, %eq3A_774 : vector<16xf32>
      %jit3A_776 = arith.constant 1.600000e+01 : f32
      %broadcast_in_dim3A_777 = vector.broadcast %jit3A_776 : f32 to vector<16xf32>
      %select_n3A_778 = arith.select %eq3A_775, %convert_element_type3A, %broadcast_in_dim3A_777 : vector<16xi1>, vector<16xf32>
      %reduce_min3A_779 = arith.constant true
      %reduce_min3A_780 = vector.broadcast %reduce_min3A_779 : i1 to vector<16xi1>
      %reduce_min3A_781 = tpu.scan <min>, %select_n3A_778 masked %reduce_min3A_780 : vector<16xf32>, vector<16xi1> -> vector<16xf32>
      %reduce_min3A_782 = vector.extract %reduce_min3A_781[15] : f32 from vector<16xf32>
      %eq3A_783 = vector.broadcast %reduce_min3A_782 : f32 to vector<16xf32>
      %eq3A_784 = arith.cmpf oeq, %convert_element_type3A, %eq3A_783 : vector<16xf32>
      %jit3A_785 = arith.constant 0xFF800000 : f32
      %broadcast_in_dim3A_786 = vector.broadcast %jit3A_785 : f32 to vector<16xf32>
      %select_n3A_787 = arith.select %eq3A_784, %broadcast_in_dim3A_786, %get3A_769 : vector<16xi1>, vector<16xf32>
      %reduce_max3A_788 = arith.constant true
      %reduce_max3A_789 = vector.broadcast %reduce_max3A_788 : i1 to vector<16xi1>
      %reduce_max3A_790 = tpu.scan <max>, %select_n3A_787 masked %reduce_max3A_789 : vector<16xf32>, vector<16xi1> -> vector<16xf32>
      %reduce_max3A_791 = vector.extract %reduce_max3A_790[15] : f32 from vector<16xf32>
      %eq3A_792 = vector.broadcast %reduce_max3A_791 : f32 to vector<16xf32>
      %eq3A_793 = arith.cmpf oeq, %select_n3A_787, %eq3A_792 : vector<16xf32>
      %jit3A_794 = arith.constant 1.600000e+01 : f32
      %broadcast_in_dim3A_795 = vector.broadcast %jit3A_794 : f32 to vector<16xf32>
      %select_n3A_796 = arith.select %eq3A_793, %convert_element_type3A, %broadcast_in_dim3A_795 : vector<16xi1>, vector<16xf32>
      %reduce_min3A_797 = arith.constant true
      %reduce_min3A_798 = vector.broadcast %reduce_min3A_797 : i1 to vector<16xi1>
      %reduce_min3A_799 = tpu.scan <min>, %select_n3A_796 masked %reduce_min3A_798 : vector<16xf32>, vector<16xi1> -> vector<16xf32>
      %reduce_min3A_800 = vector.extract %reduce_min3A_799[15] : f32 from vector<16xf32>
      %eq3A_801 = vector.broadcast %reduce_min3A_800 : f32 to vector<16xf32>
      %eq3A_802 = arith.cmpf oeq, %convert_element_type3A, %eq3A_801 : vector<16xf32>
      %sub3A_803 = vector.broadcast %reduce_max3A_773 : f32 to vector<16xf32>
      %sub3A_804 = arith.subf %get3A_769, %sub3A_803 : vector<16xf32>
      %exp3A_805 = math.exp %sub3A_804 : vector<16xf32>
      %reduce_sum3A_806 = arith.constant true
      %reduce_sum3A_807 = vector.broadcast %reduce_sum3A_806 : i1 to vector<16xi1>
      %reduce_sum3A_808 = tpu.scan <sum>, %exp3A_805 masked %reduce_sum3A_807 : vector<16xf32>, vector<16xi1> -> vector<16xf32>
      %reduce_sum3A_809 = vector.extract %reduce_sum3A_808[15] : f32 from vector<16xf32>
      %div3A_810 = vector.broadcast %reduce_sum3A_809 : f32 to vector<16xf32>
      %div3A_811 = arith.divf %exp3A_805, %div3A_810 : vector<16xf32>
      %add3A_812 = arith.addf %add3A_729, %div3A_811 : vector<16xf32>
      %jit3A_813 = arith.constant 1.000000e+00 : f32
      %jit3A_814 = arith.constant 0.000000e+00 : f32
      %broadcast_in_dim3A_815 = vector.broadcast %jit3A_813 : f32 to vector<16xf32>
      %broadcast_in_dim3A_816 = vector.broadcast %jit3A_814 : f32 to vector<16xf32>
      %select_n3A_817 = arith.select %eq3A_784, %broadcast_in_dim3A_815, %broadcast_in_dim3A_816 : vector<16xi1>, vector<16xf32>
      %add3A_818 = arith.addf %add3A_741, %select_n3A_817 : vector<16xf32>
      %jit3A_819 = arith.constant 1.000000e+00 : f32
      %jit3A_820 = arith.constant 0.000000e+00 : f32
      %broadcast_in_dim3A_821 = vector.broadcast %jit3A_819 : f32 to vector<16xf32>
      %broadcast_in_dim3A_822 = vector.broadcast %jit3A_820 : f32 to vector<16xf32>
      %select_n3A_823 = arith.select %eq3A_802, %broadcast_in_dim3A_821, %broadcast_in_dim3A_822 : vector<16xi1>, vector<16xf32>
      %add3A_824 = arith.addf %add3A_818, %select_n3A_823 : vector<16xf32>
      %eq3A_825 = arith.constant 9 : i32
      %eq3A_826 = vector.broadcast %eq3A_825 : i32 to vector<16xi32>
      %eq3A_827 = arith.cmpi eq, %iota3A, %eq3A_826 : vector<16xi32>
      %select_n3A_828 = arith.select %eq3A_784, %div3A_811, %broadcast_in_dim3A_9 : vector<16xi1>, vector<16xf32>
      %reduce_sum3A_829 = arith.constant true
      %reduce_sum3A_830 = vector.broadcast %reduce_sum3A_829 : i1 to vector<16xi1>
      %reduce_sum3A_831 = tpu.scan <sum>, %select_n3A_828 masked %reduce_sum3A_830 : vector<16xf32>, vector<16xi1> -> vector<16xf32>
      %reduce_sum3A_832 = vector.extract %reduce_sum3A_831[15] : f32 from vector<16xf32>
      %broadcast_in_dim3A_833 = vector.broadcast %reduce_sum3A_832 : f32 to vector<16xf32>
      %select_n3A_834 = arith.select %eq3A_827, %broadcast_in_dim3A_833, %select_n3A_751 : vector<16xi1>, vector<16xf32>
      %select_n3A_835 = arith.select %eq3A_802, %div3A_811, %broadcast_in_dim3A_9 : vector<16xi1>, vector<16xf32>
      %reduce_sum3A_836 = arith.constant true
      %reduce_sum3A_837 = vector.broadcast %reduce_sum3A_836 : i1 to vector<16xi1>
      %reduce_sum3A_838 = tpu.scan <sum>, %select_n3A_835 masked %reduce_sum3A_837 : vector<16xf32>, vector<16xi1> -> vector<16xf32>
      %reduce_sum3A_839 = vector.extract %reduce_sum3A_838[15] : f32 from vector<16xf32>
      %broadcast_in_dim3A_840 = vector.broadcast %reduce_sum3A_839 : f32 to vector<16xf32>
      %select_n3A_841 = arith.select %eq3A_827, %broadcast_in_dim3A_840, %select_n3A_758 : vector<16xi1>, vector<16xf32>
      %broadcast_in_dim3A_842 = vector.broadcast %reduce_min3A_782 : f32 to vector<16xf32>
      %select_n3A_843 = arith.select %eq3A_827, %broadcast_in_dim3A_842, %select_n3A_760 : vector<16xi1>, vector<16xf32>
      %broadcast_in_dim3A_844 = vector.broadcast %reduce_min3A_800 : f32 to vector<16xf32>
      %select_n3A_845 = arith.select %eq3A_827, %broadcast_in_dim3A_844, %select_n3A_762 : vector<16xi1>, vector<16xf32>
      %mul3A_846 = arith.constant 16 : i32
      %mul3A_847 = arith.muli %scan3A_23, %mul3A_846 : i32
      %add3A_848 = arith.constant 10 : i32
      %add3A_849 = arith.addi %mul3A_847, %add3A_848 : i32
      %get3A_850 = arith.index_cast %add3A_849 : i32 to index
      %get3A_851 = arith.constant 0 : index
      %get3A_852 = tpu.vector_load %arg7[%get3A_850, %get3A_851] {strides = array<i32>} : memref<512x16xf32, #tpu.memory_space<vmem>>, vector<16xf32>,
      %reduce_max3A_853 = arith.constant true
      %reduce_max3A_854 = vector.broadcast %reduce_max3A_853 : i1 to vector<16xi1>
      %reduce_max3A_855 = tpu.scan <max>, %get3A_852 masked %reduce_max3A_854 : vector<16xf32>, vector<16xi1> -> vector<16xf32>
      %reduce_max3A_856 = vector.extract %reduce_max3A_855[15] : f32 from vector<16xf32>
      %eq3A_857 = vector.broadcast %reduce_max3A_856 : f32 to vector<16xf32>
      %eq3A_858 = arith.cmpf oeq, %get3A_852, %eq3A_857 : vector<16xf32>
      %jit3A_859 = arith.constant 1.600000e+01 : f32
      %broadcast_in_dim3A_860 = vector.broadcast %jit3A_859 : f32 to vector<16xf32>
      %select_n3A_861 = arith.select %eq3A_858, %convert_element_type3A, %broadcast_in_dim3A_860 : vector<16xi1>, vector<16xf32>
      %reduce_min3A_862 = arith.constant true
      %reduce_min3A_863 = vector.broadcast %reduce_min3A_862 : i1 to vector<16xi1>
      %reduce_min3A_864 = tpu.scan <min>, %select_n3A_861 masked %reduce_min3A_863 : vector<16xf32>, vector<16xi1> -> vector<16xf32>
      %reduce_min3A_865 = vector.extract %reduce_min3A_864[15] : f32 from vector<16xf32>
      %eq3A_866 = vector.broadcast %reduce_min3A_865 : f32 to vector<16xf32>
      %eq3A_867 = arith.cmpf oeq, %convert_element_type3A, %eq3A_866 : vector<16xf32>
      %jit3A_868 = arith.constant 0xFF800000 : f32
      %broadcast_in_dim3A_869 = vector.broadcast %jit3A_868 : f32 to vector<16xf32>
      %select_n3A_870 = arith.select %eq3A_867, %broadcast_in_dim3A_869, %get3A_852 : vector<16xi1>, vector<16xf32>
      %reduce_max3A_871 = arith.constant true
      %reduce_max3A_872 = vector.broadcast %reduce_max3A_871 : i1 to vector<16xi1>
      %reduce_max3A_873 = tpu.scan <max>, %select_n3A_870 masked %reduce_max3A_872 : vector<16xf32>, vector<16xi1> -> vector<16xf32>
      %reduce_max3A_874 = vector.extract %reduce_max3A_873[15] : f32 from vector<16xf32>
      %eq3A_875 = vector.broadcast %reduce_max3A_874 : f32 to vector<16xf32>
      %eq3A_876 = arith.cmpf oeq, %select_n3A_870, %eq3A_875 : vector<16xf32>
      %jit3A_877 = arith.constant 1.600000e+01 : f32
      %broadcast_in_dim3A_878 = vector.broadcast %jit3A_877 : f32 to vector<16xf32>
      %select_n3A_879 = arith.select %eq3A_876, %convert_element_type3A, %broadcast_in_dim3A_878 : vector<16xi1>, vector<16xf32>
      %reduce_min3A_880 = arith.constant true
      %reduce_min3A_881 = vector.broadcast %reduce_min3A_880 : i1 to vector<16xi1>
      %reduce_min3A_882 = tpu.scan <min>, %select_n3A_879 masked %reduce_min3A_881 : vector<16xf32>, vector<16xi1> -> vector<16xf32>
      %reduce_min3A_883 = vector.extract %reduce_min3A_882[15] : f32 from vector<16xf32>
      %eq3A_884 = vector.broadcast %reduce_min3A_883 : f32 to vector<16xf32>
      %eq3A_885 = arith.cmpf oeq, %convert_element_type3A, %eq3A_884 : vector<16xf32>
      %sub3A_886 = vector.broadcast %reduce_max3A_856 : f32 to vector<16xf32>
      %sub3A_887 = arith.subf %get3A_852, %sub3A_886 : vector<16xf32>
      %exp3A_888 = math.exp %sub3A_887 : vector<16xf32>
      %reduce_sum3A_889 = arith.constant true
      %reduce_sum3A_890 = vector.broadcast %reduce_sum3A_889 : i1 to vector<16xi1>
      %reduce_sum3A_891 = tpu.scan <sum>, %exp3A_888 masked %reduce_sum3A_890 : vector<16xf32>, vector<16xi1> -> vector<16xf32>
      %reduce_sum3A_892 = vector.extract %reduce_sum3A_891[15] : f32 from vector<16xf32>
      %div3A_893 = vector.broadcast %reduce_sum3A_892 : f32 to vector<16xf32>
      %div3A_894 = arith.divf %exp3A_888, %div3A_893 : vector<16xf32>
      %add3A_895 = arith.addf %add3A_812, %div3A_894 : vector<16xf32>
      %jit3A_896 = arith.constant 1.000000e+00 : f32
      %jit3A_897 = arith.constant 0.000000e+00 : f32
      %broadcast_in_dim3A_898 = vector.broadcast %jit3A_896 : f32 to vector<16xf32>
      %broadcast_in_dim3A_899 = vector.broadcast %jit3A_897 : f32 to vector<16xf32>
      %select_n3A_900 = arith.select %eq3A_867, %broadcast_in_dim3A_898, %broadcast_in_dim3A_899 : vector<16xi1>, vector<16xf32>
      %add3A_901 = arith.addf %add3A_824, %select_n3A_900 : vector<16xf32>
      %jit3A_902 = arith.constant 1.000000e+00 : f32
      %jit3A_903 = arith.constant 0.000000e+00 : f32
      %broadcast_in_dim3A_904 = vector.broadcast %jit3A_902 : f32 to vector<16xf32>
      %broadcast_in_dim3A_905 = vector.broadcast %jit3A_903 : f32 to vector<16xf32>
      %select_n3A_906 = arith.select %eq3A_885, %broadcast_in_dim3A_904, %broadcast_in_dim3A_905 : vector<16xi1>, vector<16xf32>
      %add3A_907 = arith.addf %add3A_901, %select_n3A_906 : vector<16xf32>
      %eq3A_908 = arith.constant 10 : i32
      %eq3A_909 = vector.broadcast %eq3A_908 : i32 to vector<16xi32>
      %eq3A_910 = arith.cmpi eq, %iota3A, %eq3A_909 : vector<16xi32>
      %select_n3A_911 = arith.select %eq3A_867, %div3A_894, %broadcast_in_dim3A_9 : vector<16xi1>, vector<16xf32>
      %reduce_sum3A_912 = arith.constant true
      %reduce_sum3A_913 = vector.broadcast %reduce_sum3A_912 : i1 to vector<16xi1>
      %reduce_sum3A_914 = tpu.scan <sum>, %select_n3A_911 masked %reduce_sum3A_913 : vector<16xf32>, vector<16xi1> -> vector<16xf32>
      %reduce_sum3A_915 = vector.extract %reduce_sum3A_914[15] : f32 from vector<16xf32>
      %broadcast_in_dim3A_916 = vector.broadcast %reduce_sum3A_915 : f32 to vector<16xf32>
      %select_n3A_917 = arith.select %eq3A_910, %broadcast_in_dim3A_916, %select_n3A_834 : vector<16xi1>, vector<16xf32>
      %select_n3A_918 = arith.select %eq3A_885, %div3A_894, %broadcast_in_dim3A_9 : vector<16xi1>, vector<16xf32>
      %reduce_sum3A_919 = arith.constant true
      %reduce_sum3A_920 = vector.broadcast %reduce_sum3A_919 : i1 to vector<16xi1>
      %reduce_sum3A_921 = tpu.scan <sum>, %select_n3A_918 masked %reduce_sum3A_920 : vector<16xf32>, vector<16xi1> -> vector<16xf32>
      %reduce_sum3A_922 = vector.extract %reduce_sum3A_921[15] : f32 from vector<16xf32>
      %broadcast_in_dim3A_923 = vector.broadcast %reduce_sum3A_922 : f32 to vector<16xf32>
      %select_n3A_924 = arith.select %eq3A_910, %broadcast_in_dim3A_923, %select_n3A_841 : vector<16xi1>, vector<16xf32>
      %broadcast_in_dim3A_925 = vector.broadcast %reduce_min3A_865 : f32 to vector<16xf32>
      %select_n3A_926 = arith.select %eq3A_910, %broadcast_in_dim3A_925, %select_n3A_843 : vector<16xi1>, vector<16xf32>
      %broadcast_in_dim3A_927 = vector.broadcast %reduce_min3A_883 : f32 to vector<16xf32>
      %select_n3A_928 = arith.select %eq3A_910, %broadcast_in_dim3A_927, %select_n3A_845 : vector<16xi1>, vector<16xf32>
      %mul3A_929 = arith.constant 16 : i32
      %mul3A_930 = arith.muli %scan3A_23, %mul3A_929 : i32
      %add3A_931 = arith.constant 11 : i32
      %add3A_932 = arith.addi %mul3A_930, %add3A_931 : i32
      %get3A_933 = arith.index_cast %add3A_932 : i32 to index
      %get3A_934 = arith.constant 0 : index
      %get3A_935 = tpu.vector_load %arg7[%get3A_933, %get3A_934] {strides = array<i32>} : memref<512x16xf32, #tpu.memory_space<vmem>>, vector<16xf32>,
      %reduce_max3A_936 = arith.constant true
      %reduce_max3A_937 = vector.broadcast %reduce_max3A_936 : i1 to vector<16xi1>
      %reduce_max3A_938 = tpu.scan <max>, %get3A_935 masked %reduce_max3A_937 : vector<16xf32>, vector<16xi1> -> vector<16xf32>
      %reduce_max3A_939 = vector.extract %reduce_max3A_938[15] : f32 from vector<16xf32>
      %eq3A_940 = vector.broadcast %reduce_max3A_939 : f32 to vector<16xf32>
      %eq3A_941 = arith.cmpf oeq, %get3A_935, %eq3A_940 : vector<16xf32>
      %jit3A_942 = arith.constant 1.600000e+01 : f32
      %broadcast_in_dim3A_943 = vector.broadcast %jit3A_942 : f32 to vector<16xf32>
      %select_n3A_944 = arith.select %eq3A_941, %convert_element_type3A, %broadcast_in_dim3A_943 : vector<16xi1>, vector<16xf32>
      %reduce_min3A_945 = arith.constant true
      %reduce_min3A_946 = vector.broadcast %reduce_min3A_945 : i1 to vector<16xi1>
      %reduce_min3A_947 = tpu.scan <min>, %select_n3A_944 masked %reduce_min3A_946 : vector<16xf32>, vector<16xi1> -> vector<16xf32>
      %reduce_min3A_948 = vector.extract %reduce_min3A_947[15] : f32 from vector<16xf32>
      %eq3A_949 = vector.broadcast %reduce_min3A_948 : f32 to vector<16xf32>
      %eq3A_950 = arith.cmpf oeq, %convert_element_type3A, %eq3A_949 : vector<16xf32>
      %jit3A_951 = arith.constant 0xFF800000 : f32
      %broadcast_in_dim3A_952 = vector.broadcast %jit3A_951 : f32 to vector<16xf32>
      %select_n3A_953 = arith.select %eq3A_950, %broadcast_in_dim3A_952, %get3A_935 : vector<16xi1>, vector<16xf32>
      %reduce_max3A_954 = arith.constant true
      %reduce_max3A_955 = vector.broadcast %reduce_max3A_954 : i1 to vector<16xi1>
      %reduce_max3A_956 = tpu.scan <max>, %select_n3A_953 masked %reduce_max3A_955 : vector<16xf32>, vector<16xi1> -> vector<16xf32>
      %reduce_max3A_957 = vector.extract %reduce_max3A_956[15] : f32 from vector<16xf32>
      %eq3A_958 = vector.broadcast %reduce_max3A_957 : f32 to vector<16xf32>
      %eq3A_959 = arith.cmpf oeq, %select_n3A_953, %eq3A_958 : vector<16xf32>
      %jit3A_960 = arith.constant 1.600000e+01 : f32
      %broadcast_in_dim3A_961 = vector.broadcast %jit3A_960 : f32 to vector<16xf32>
      %select_n3A_962 = arith.select %eq3A_959, %convert_element_type3A, %broadcast_in_dim3A_961 : vector<16xi1>, vector<16xf32>
      %reduce_min3A_963 = arith.constant true
      %reduce_min3A_964 = vector.broadcast %reduce_min3A_963 : i1 to vector<16xi1>
      %reduce_min3A_965 = tpu.scan <min>, %select_n3A_962 masked %reduce_min3A_964 : vector<16xf32>, vector<16xi1> -> vector<16xf32>
      %reduce_min3A_966 = vector.extract %reduce_min3A_965[15] : f32 from vector<16xf32>
      %eq3A_967 = vector.broadcast %reduce_min3A_966 : f32 to vector<16xf32>
      %eq3A_968 = arith.cmpf oeq, %convert_element_type3A, %eq3A_967 : vector<16xf32>
      %sub3A_969 = vector.broadcast %reduce_max3A_939 : f32 to vector<16xf32>
      %sub3A_970 = arith.subf %get3A_935, %sub3A_969 : vector<16xf32>
      %exp3A_971 = math.exp %sub3A_970 : vector<16xf32>
      %reduce_sum3A_972 = arith.constant true
      %reduce_sum3A_973 = vector.broadcast %reduce_sum3A_972 : i1 to vector<16xi1>
      %reduce_sum3A_974 = tpu.scan <sum>, %exp3A_971 masked %reduce_sum3A_973 : vector<16xf32>, vector<16xi1> -> vector<16xf32>
      %reduce_sum3A_975 = vector.extract %reduce_sum3A_974[15] : f32 from vector<16xf32>
      %div3A_976 = vector.broadcast %reduce_sum3A_975 : f32 to vector<16xf32>
      %div3A_977 = arith.divf %exp3A_971, %div3A_976 : vector<16xf32>
      %add3A_978 = arith.addf %add3A_895, %div3A_977 : vector<16xf32>
      %jit3A_979 = arith.constant 1.000000e+00 : f32
      %jit3A_980 = arith.constant 0.000000e+00 : f32
      %broadcast_in_dim3A_981 = vector.broadcast %jit3A_979 : f32 to vector<16xf32>
      %broadcast_in_dim3A_982 = vector.broadcast %jit3A_980 : f32 to vector<16xf32>
      %select_n3A_983 = arith.select %eq3A_950, %broadcast_in_dim3A_981, %broadcast_in_dim3A_982 : vector<16xi1>, vector<16xf32>
      %add3A_984 = arith.addf %add3A_907, %select_n3A_983 : vector<16xf32>
      %jit3A_985 = arith.constant 1.000000e+00 : f32
      %jit3A_986 = arith.constant 0.000000e+00 : f32
      %broadcast_in_dim3A_987 = vector.broadcast %jit3A_985 : f32 to vector<16xf32>
      %broadcast_in_dim3A_988 = vector.broadcast %jit3A_986 : f32 to vector<16xf32>
      %select_n3A_989 = arith.select %eq3A_968, %broadcast_in_dim3A_987, %broadcast_in_dim3A_988 : vector<16xi1>, vector<16xf32>
      %add3A_990 = arith.addf %add3A_984, %select_n3A_989 : vector<16xf32>
      %eq3A_991 = arith.constant 11 : i32
      %eq3A_992 = vector.broadcast %eq3A_991 : i32 to vector<16xi32>
      %eq3A_993 = arith.cmpi eq, %iota3A, %eq3A_992 : vector<16xi32>
      %select_n3A_994 = arith.select %eq3A_950, %div3A_977, %broadcast_in_dim3A_9 : vector<16xi1>, vector<16xf32>
      %reduce_sum3A_995 = arith.constant true
      %reduce_sum3A_996 = vector.broadcast %reduce_sum3A_995 : i1 to vector<16xi1>
      %reduce_sum3A_997 = tpu.scan <sum>, %select_n3A_994 masked %reduce_sum3A_996 : vector<16xf32>, vector<16xi1> -> vector<16xf32>
      %reduce_sum3A_998 = vector.extract %reduce_sum3A_997[15] : f32 from vector<16xf32>
      %broadcast_in_dim3A_999 = vector.broadcast %reduce_sum3A_998 : f32 to vector<16xf32>
      %select_n3A_1000 = arith.select %eq3A_993, %broadcast_in_dim3A_999, %select_n3A_917 : vector<16xi1>, vector<16xf32>
      %select_n3A_1001 = arith.select %eq3A_968, %div3A_977, %broadcast_in_dim3A_9 : vector<16xi1>, vector<16xf32>
      %reduce_sum3A_1002 = arith.constant true
      %reduce_sum3A_1003 = vector.broadcast %reduce_sum3A_1002 : i1 to vector<16xi1>
      %reduce_sum3A_1004 = tpu.scan <sum>, %select_n3A_1001 masked %reduce_sum3A_1003 : vector<16xf32>, vector<16xi1> -> vector<16xf32>
      %reduce_sum3A_1005 = vector.extract %reduce_sum3A_1004[15] : f32 from vector<16xf32>
      %broadcast_in_dim3A_1006 = vector.broadcast %reduce_sum3A_1005 : f32 to vector<16xf32>
      %select_n3A_1007 = arith.select %eq3A_993, %broadcast_in_dim3A_1006, %select_n3A_924 : vector<16xi1>, vector<16xf32>
      %broadcast_in_dim3A_1008 = vector.broadcast %reduce_min3A_948 : f32 to vector<16xf32>
      %select_n3A_1009 = arith.select %eq3A_993, %broadcast_in_dim3A_1008, %select_n3A_926 : vector<16xi1>, vector<16xf32>
      %broadcast_in_dim3A_1010 = vector.broadcast %reduce_min3A_966 : f32 to vector<16xf32>
      %select_n3A_1011 = arith.select %eq3A_993, %broadcast_in_dim3A_1010, %select_n3A_928 : vector<16xi1>, vector<16xf32>
      %mul3A_1012 = arith.constant 16 : i32
      %mul3A_1013 = arith.muli %scan3A_23, %mul3A_1012 : i32
      %add3A_1014 = arith.constant 12 : i32
      %add3A_1015 = arith.addi %mul3A_1013, %add3A_1014 : i32
      %get3A_1016 = arith.index_cast %add3A_1015 : i32 to index
      %get3A_1017 = arith.constant 0 : index
      %get3A_1018 = tpu.vector_load %arg7[%get3A_1016, %get3A_1017] {strides = array<i32>} : memref<512x16xf32, #tpu.memory_space<vmem>>, vector<16xf32>,
      %reduce_max3A_1019 = arith.constant true
      %reduce_max3A_1020 = vector.broadcast %reduce_max3A_1019 : i1 to vector<16xi1>
      %reduce_max3A_1021 = tpu.scan <max>, %get3A_1018 masked %reduce_max3A_1020 : vector<16xf32>, vector<16xi1> -> vector<16xf32>
      %reduce_max3A_1022 = vector.extract %reduce_max3A_1021[15] : f32 from vector<16xf32>
      %eq3A_1023 = vector.broadcast %reduce_max3A_1022 : f32 to vector<16xf32>
      %eq3A_1024 = arith.cmpf oeq, %get3A_1018, %eq3A_1023 : vector<16xf32>
      %jit3A_1025 = arith.constant 1.600000e+01 : f32
      %broadcast_in_dim3A_1026 = vector.broadcast %jit3A_1025 : f32 to vector<16xf32>
      %select_n3A_1027 = arith.select %eq3A_1024, %convert_element_type3A, %broadcast_in_dim3A_1026 : vector<16xi1>, vector<16xf32>
      %reduce_min3A_1028 = arith.constant true
      %reduce_min3A_1029 = vector.broadcast %reduce_min3A_1028 : i1 to vector<16xi1>
      %reduce_min3A_1030 = tpu.scan <min>, %select_n3A_1027 masked %reduce_min3A_1029 : vector<16xf32>, vector<16xi1> -> vector<16xf32>
      %reduce_min3A_1031 = vector.extract %reduce_min3A_1030[15] : f32 from vector<16xf32>
      %eq3A_1032 = vector.broadcast %reduce_min3A_1031 : f32 to vector<16xf32>
      %eq3A_1033 = arith.cmpf oeq, %convert_element_type3A, %eq3A_1032 : vector<16xf32>
      %jit3A_1034 = arith.constant 0xFF800000 : f32
      %broadcast_in_dim3A_1035 = vector.broadcast %jit3A_1034 : f32 to vector<16xf32>
      %select_n3A_1036 = arith.select %eq3A_1033, %broadcast_in_dim3A_1035, %get3A_1018 : vector<16xi1>, vector<16xf32>
      %reduce_max3A_1037 = arith.constant true
      %reduce_max3A_1038 = vector.broadcast %reduce_max3A_1037 : i1 to vector<16xi1>
      %reduce_max3A_1039 = tpu.scan <max>, %select_n3A_1036 masked %reduce_max3A_1038 : vector<16xf32>, vector<16xi1> -> vector<16xf32>
      %reduce_max3A_1040 = vector.extract %reduce_max3A_1039[15] : f32 from vector<16xf32>
      %eq3A_1041 = vector.broadcast %reduce_max3A_1040 : f32 to vector<16xf32>
      %eq3A_1042 = arith.cmpf oeq, %select_n3A_1036, %eq3A_1041 : vector<16xf32>
      %jit3A_1043 = arith.constant 1.600000e+01 : f32
      %broadcast_in_dim3A_1044 = vector.broadcast %jit3A_1043 : f32 to vector<16xf32>
      %select_n3A_1045 = arith.select %eq3A_1042, %convert_element_type3A, %broadcast_in_dim3A_1044 : vector<16xi1>, vector<16xf32>
      %reduce_min3A_1046 = arith.constant true
      %reduce_min3A_1047 = vector.broadcast %reduce_min3A_1046 : i1 to vector<16xi1>
      %reduce_min3A_1048 = tpu.scan <min>, %select_n3A_1045 masked %reduce_min3A_1047 : vector<16xf32>, vector<16xi1> -> vector<16xf32>
      %reduce_min3A_1049 = vector.extract %reduce_min3A_1048[15] : f32 from vector<16xf32>
      %eq3A_1050 = vector.broadcast %reduce_min3A_1049 : f32 to vector<16xf32>
      %eq3A_1051 = arith.cmpf oeq, %convert_element_type3A, %eq3A_1050 : vector<16xf32>
      %sub3A_1052 = vector.broadcast %reduce_max3A_1022 : f32 to vector<16xf32>
      %sub3A_1053 = arith.subf %get3A_1018, %sub3A_1052 : vector<16xf32>
      %exp3A_1054 = math.exp %sub3A_1053 : vector<16xf32>
      %reduce_sum3A_1055 = arith.constant true
      %reduce_sum3A_1056 = vector.broadcast %reduce_sum3A_1055 : i1 to vector<16xi1>
      %reduce_sum3A_1057 = tpu.scan <sum>, %exp3A_1054 masked %reduce_sum3A_1056 : vector<16xf32>, vector<16xi1> -> vector<16xf32>
      %reduce_sum3A_1058 = vector.extract %reduce_sum3A_1057[15] : f32 from vector<16xf32>
      %div3A_1059 = vector.broadcast %reduce_sum3A_1058 : f32 to vector<16xf32>
      %div3A_1060 = arith.divf %exp3A_1054, %div3A_1059 : vector<16xf32>
      %add3A_1061 = arith.addf %add3A_978, %div3A_1060 : vector<16xf32>
      %jit3A_1062 = arith.constant 1.000000e+00 : f32
      %jit3A_1063 = arith.constant 0.000000e+00 : f32
      %broadcast_in_dim3A_1064 = vector.broadcast %jit3A_1062 : f32 to vector<16xf32>
      %broadcast_in_dim3A_1065 = vector.broadcast %jit3A_1063 : f32 to vector<16xf32>
      %select_n3A_1066 = arith.select %eq3A_1033, %broadcast_in_dim3A_1064, %broadcast_in_dim3A_1065 : vector<16xi1>, vector<16xf32>
      %add3A_1067 = arith.addf %add3A_990, %select_n3A_1066 : vector<16xf32>
      %jit3A_1068 = arith.constant 1.000000e+00 : f32
      %jit3A_1069 = arith.constant 0.000000e+00 : f32
      %broadcast_in_dim3A_1070 = vector.broadcast %jit3A_1068 : f32 to vector<16xf32>
      %broadcast_in_dim3A_1071 = vector.broadcast %jit3A_1069 : f32 to vector<16xf32>
      %select_n3A_1072 = arith.select %eq3A_1051, %broadcast_in_dim3A_1070, %broadcast_in_dim3A_1071 : vector<16xi1>, vector<16xf32>
      %add3A_1073 = arith.addf %add3A_1067, %select_n3A_1072 : vector<16xf32>
      %eq3A_1074 = arith.constant 12 : i32
      %eq3A_1075 = vector.broadcast %eq3A_1074 : i32 to vector<16xi32>
      %eq3A_1076 = arith.cmpi eq, %iota3A, %eq3A_1075 : vector<16xi32>
      %select_n3A_1077 = arith.select %eq3A_1033, %div3A_1060, %broadcast_in_dim3A_9 : vector<16xi1>, vector<16xf32>
      %reduce_sum3A_1078 = arith.constant true
      %reduce_sum3A_1079 = vector.broadcast %reduce_sum3A_1078 : i1 to vector<16xi1>
      %reduce_sum3A_1080 = tpu.scan <sum>, %select_n3A_1077 masked %reduce_sum3A_1079 : vector<16xf32>, vector<16xi1> -> vector<16xf32>
      %reduce_sum3A_1081 = vector.extract %reduce_sum3A_1080[15] : f32 from vector<16xf32>
      %broadcast_in_dim3A_1082 = vector.broadcast %reduce_sum3A_1081 : f32 to vector<16xf32>
      %select_n3A_1083 = arith.select %eq3A_1076, %broadcast_in_dim3A_1082, %select_n3A_1000 : vector<16xi1>, vector<16xf32>
      %select_n3A_1084 = arith.select %eq3A_1051, %div3A_1060, %broadcast_in_dim3A_9 : vector<16xi1>, vector<16xf32>
      %reduce_sum3A_1085 = arith.constant true
      %reduce_sum3A_1086 = vector.broadcast %reduce_sum3A_1085 : i1 to vector<16xi1>
      %reduce_sum3A_1087 = tpu.scan <sum>, %select_n3A_1084 masked %reduce_sum3A_1086 : vector<16xf32>, vector<16xi1> -> vector<16xf32>
      %reduce_sum3A_1088 = vector.extract %reduce_sum3A_1087[15] : f32 from vector<16xf32>
      %broadcast_in_dim3A_1089 = vector.broadcast %reduce_sum3A_1088 : f32 to vector<16xf32>
      %select_n3A_1090 = arith.select %eq3A_1076, %broadcast_in_dim3A_1089, %select_n3A_1007 : vector<16xi1>, vector<16xf32>
      %broadcast_in_dim3A_1091 = vector.broadcast %reduce_min3A_1031 : f32 to vector<16xf32>
      %select_n3A_1092 = arith.select %eq3A_1076, %broadcast_in_dim3A_1091, %select_n3A_1009 : vector<16xi1>, vector<16xf32>
      %broadcast_in_dim3A_1093 = vector.broadcast %reduce_min3A_1049 : f32 to vector<16xf32>
      %select_n3A_1094 = arith.select %eq3A_1076, %broadcast_in_dim3A_1093, %select_n3A_1011 : vector<16xi1>, vector<16xf32>
      %mul3A_1095 = arith.constant 16 : i32
      %mul3A_1096 = arith.muli %scan3A_23, %mul3A_1095 : i32
      %add3A_1097 = arith.constant 13 : i32
      %add3A_1098 = arith.addi %mul3A_1096, %add3A_1097 : i32
      %get3A_1099 = arith.index_cast %add3A_1098 : i32 to index
      %get3A_1100 = arith.constant 0 : index
      %get3A_1101 = tpu.vector_load %arg7[%get3A_1099, %get3A_1100] {strides = array<i32>} : memref<512x16xf32, #tpu.memory_space<vmem>>, vector<16xf32>,
      %reduce_max3A_1102 = arith.constant true
      %reduce_max3A_1103 = vector.broadcast %reduce_max3A_1102 : i1 to vector<16xi1>
      %reduce_max3A_1104 = tpu.scan <max>, %get3A_1101 masked %reduce_max3A_1103 : vector<16xf32>, vector<16xi1> -> vector<16xf32>
      %reduce_max3A_1105 = vector.extract %reduce_max3A_1104[15] : f32 from vector<16xf32>
      %eq3A_1106 = vector.broadcast %reduce_max3A_1105 : f32 to vector<16xf32>
      %eq3A_1107 = arith.cmpf oeq, %get3A_1101, %eq3A_1106 : vector<16xf32>
      %jit3A_1108 = arith.constant 1.600000e+01 : f32
      %broadcast_in_dim3A_1109 = vector.broadcast %jit3A_1108 : f32 to vector<16xf32>
      %select_n3A_1110 = arith.select %eq3A_1107, %convert_element_type3A, %broadcast_in_dim3A_1109 : vector<16xi1>, vector<16xf32>
      %reduce_min3A_1111 = arith.constant true
      %reduce_min3A_1112 = vector.broadcast %reduce_min3A_1111 : i1 to vector<16xi1>
      %reduce_min3A_1113 = tpu.scan <min>, %select_n3A_1110 masked %reduce_min3A_1112 : vector<16xf32>, vector<16xi1> -> vector<16xf32>
      %reduce_min3A_1114 = vector.extract %reduce_min3A_1113[15] : f32 from vector<16xf32>
      %eq3A_1115 = vector.broadcast %reduce_min3A_1114 : f32 to vector<16xf32>
      %eq3A_1116 = arith.cmpf oeq, %convert_element_type3A, %eq3A_1115 : vector<16xf32>
      %jit3A_1117 = arith.constant 0xFF800000 : f32
      %broadcast_in_dim3A_1118 = vector.broadcast %jit3A_1117 : f32 to vector<16xf32>
      %select_n3A_1119 = arith.select %eq3A_1116, %broadcast_in_dim3A_1118, %get3A_1101 : vector<16xi1>, vector<16xf32>
      %reduce_max3A_1120 = arith.constant true
      %reduce_max3A_1121 = vector.broadcast %reduce_max3A_1120 : i1 to vector<16xi1>
      %reduce_max3A_1122 = tpu.scan <max>, %select_n3A_1119 masked %reduce_max3A_1121 : vector<16xf32>, vector<16xi1> -> vector<16xf32>
      %reduce_max3A_1123 = vector.extract %reduce_max3A_1122[15] : f32 from vector<16xf32>
      %eq3A_1124 = vector.broadcast %reduce_max3A_1123 : f32 to vector<16xf32>
      %eq3A_1125 = arith.cmpf oeq, %select_n3A_1119, %eq3A_1124 : vector<16xf32>
      %jit3A_1126 = arith.constant 1.600000e+01 : f32
      %broadcast_in_dim3A_1127 = vector.broadcast %jit3A_1126 : f32 to vector<16xf32>
      %select_n3A_1128 = arith.select %eq3A_1125, %convert_element_type3A, %broadcast_in_dim3A_1127 : vector<16xi1>, vector<16xf32>
      %reduce_min3A_1129 = arith.constant true
      %reduce_min3A_1130 = vector.broadcast %reduce_min3A_1129 : i1 to vector<16xi1>
      %reduce_min3A_1131 = tpu.scan <min>, %select_n3A_1128 masked %reduce_min3A_1130 : vector<16xf32>, vector<16xi1> -> vector<16xf32>
      %reduce_min3A_1132 = vector.extract %reduce_min3A_1131[15] : f32 from vector<16xf32>
      %eq3A_1133 = vector.broadcast %reduce_min3A_1132 : f32 to vector<16xf32>
      %eq3A_1134 = arith.cmpf oeq, %convert_element_type3A, %eq3A_1133 : vector<16xf32>
      %sub3A_1135 = vector.broadcast %reduce_max3A_1105 : f32 to vector<16xf32>
      %sub3A_1136 = arith.subf %get3A_1101, %sub3A_1135 : vector<16xf32>
      %exp3A_1137 = math.exp %sub3A_1136 : vector<16xf32>
      %reduce_sum3A_1138 = arith.constant true
      %reduce_sum3A_1139 = vector.broadcast %reduce_sum3A_1138 : i1 to vector<16xi1>
      %reduce_sum3A_1140 = tpu.scan <sum>, %exp3A_1137 masked %reduce_sum3A_1139 : vector<16xf32>, vector<16xi1> -> vector<16xf32>
      %reduce_sum3A_1141 = vector.extract %reduce_sum3A_1140[15] : f32 from vector<16xf32>
      %div3A_1142 = vector.broadcast %reduce_sum3A_1141 : f32 to vector<16xf32>
      %div3A_1143 = arith.divf %exp3A_1137, %div3A_1142 : vector<16xf32>
      %add3A_1144 = arith.addf %add3A_1061, %div3A_1143 : vector<16xf32>
      %jit3A_1145 = arith.constant 1.000000e+00 : f32
      %jit3A_1146 = arith.constant 0.000000e+00 : f32
      %broadcast_in_dim3A_1147 = vector.broadcast %jit3A_1145 : f32 to vector<16xf32>
      %broadcast_in_dim3A_1148 = vector.broadcast %jit3A_1146 : f32 to vector<16xf32>
      %select_n3A_1149 = arith.select %eq3A_1116, %broadcast_in_dim3A_1147, %broadcast_in_dim3A_1148 : vector<16xi1>, vector<16xf32>
      %add3A_1150 = arith.addf %add3A_1073, %select_n3A_1149 : vector<16xf32>
      %jit3A_1151 = arith.constant 1.000000e+00 : f32
      %jit3A_1152 = arith.constant 0.000000e+00 : f32
      %broadcast_in_dim3A_1153 = vector.broadcast %jit3A_1151 : f32 to vector<16xf32>
      %broadcast_in_dim3A_1154 = vector.broadcast %jit3A_1152 : f32 to vector<16xf32>
      %select_n3A_1155 = arith.select %eq3A_1134, %broadcast_in_dim3A_1153, %broadcast_in_dim3A_1154 : vector<16xi1>, vector<16xf32>
      %add3A_1156 = arith.addf %add3A_1150, %select_n3A_1155 : vector<16xf32>
      %eq3A_1157 = arith.constant 13 : i32
      %eq3A_1158 = vector.broadcast %eq3A_1157 : i32 to vector<16xi32>
      %eq3A_1159 = arith.cmpi eq, %iota3A, %eq3A_1158 : vector<16xi32>
      %select_n3A_1160 = arith.select %eq3A_1116, %div3A_1143, %broadcast_in_dim3A_9 : vector<16xi1>, vector<16xf32>
      %reduce_sum3A_1161 = arith.constant true
      %reduce_sum3A_1162 = vector.broadcast %reduce_sum3A_1161 : i1 to vector<16xi1>
      %reduce_sum3A_1163 = tpu.scan <sum>, %select_n3A_1160 masked %reduce_sum3A_1162 : vector<16xf32>, vector<16xi1> -> vector<16xf32>
      %reduce_sum3A_1164 = vector.extract %reduce_sum3A_1163[15] : f32 from vector<16xf32>
      %broadcast_in_dim3A_1165 = vector.broadcast %reduce_sum3A_1164 : f32 to vector<16xf32>
      %select_n3A_1166 = arith.select %eq3A_1159, %broadcast_in_dim3A_1165, %select_n3A_1083 : vector<16xi1>, vector<16xf32>
      %select_n3A_1167 = arith.select %eq3A_1134, %div3A_1143, %broadcast_in_dim3A_9 : vector<16xi1>, vector<16xf32>
      %reduce_sum3A_1168 = arith.constant true
      %reduce_sum3A_1169 = vector.broadcast %reduce_sum3A_1168 : i1 to vector<16xi1>
      %reduce_sum3A_1170 = tpu.scan <sum>, %select_n3A_1167 masked %reduce_sum3A_1169 : vector<16xf32>, vector<16xi1> -> vector<16xf32>
      %reduce_sum3A_1171 = vector.extract %reduce_sum3A_1170[15] : f32 from vector<16xf32>
      %broadcast_in_dim3A_1172 = vector.broadcast %reduce_sum3A_1171 : f32 to vector<16xf32>
      %select_n3A_1173 = arith.select %eq3A_1159, %broadcast_in_dim3A_1172, %select_n3A_1090 : vector<16xi1>, vector<16xf32>
      %broadcast_in_dim3A_1174 = vector.broadcast %reduce_min3A_1114 : f32 to vector<16xf32>
      %select_n3A_1175 = arith.select %eq3A_1159, %broadcast_in_dim3A_1174, %select_n3A_1092 : vector<16xi1>, vector<16xf32>
      %broadcast_in_dim3A_1176 = vector.broadcast %reduce_min3A_1132 : f32 to vector<16xf32>
      %select_n3A_1177 = arith.select %eq3A_1159, %broadcast_in_dim3A_1176, %select_n3A_1094 : vector<16xi1>, vector<16xf32>
      %mul3A_1178 = arith.constant 16 : i32
      %mul3A_1179 = arith.muli %scan3A_23, %mul3A_1178 : i32
      %add3A_1180 = arith.constant 14 : i32
      %add3A_1181 = arith.addi %mul3A_1179, %add3A_1180 : i32
      %get3A_1182 = arith.index_cast %add3A_1181 : i32 to index
      %get3A_1183 = arith.constant 0 : index
      %get3A_1184 = tpu.vector_load %arg7[%get3A_1182, %get3A_1183] {strides = array<i32>} : memref<512x16xf32, #tpu.memory_space<vmem>>, vector<16xf32>,
      %reduce_max3A_1185 = arith.constant true
      %reduce_max3A_1186 = vector.broadcast %reduce_max3A_1185 : i1 to vector<16xi1>
      %reduce_max3A_1187 = tpu.scan <max>, %get3A_1184 masked %reduce_max3A_1186 : vector<16xf32>, vector<16xi1> -> vector<16xf32>
      %reduce_max3A_1188 = vector.extract %reduce_max3A_1187[15] : f32 from vector<16xf32>
      %eq3A_1189 = vector.broadcast %reduce_max3A_1188 : f32 to vector<16xf32>
      %eq3A_1190 = arith.cmpf oeq, %get3A_1184, %eq3A_1189 : vector<16xf32>
      %jit3A_1191 = arith.constant 1.600000e+01 : f32
      %broadcast_in_dim3A_1192 = vector.broadcast %jit3A_1191 : f32 to vector<16xf32>
      %select_n3A_1193 = arith.select %eq3A_1190, %convert_element_type3A, %broadcast_in_dim3A_1192 : vector<16xi1>, vector<16xf32>
      %reduce_min3A_1194 = arith.constant true
      %reduce_min3A_1195 = vector.broadcast %reduce_min3A_1194 : i1 to vector<16xi1>
      %reduce_min3A_1196 = tpu.scan <min>, %select_n3A_1193 masked %reduce_min3A_1195 : vector<16xf32>, vector<16xi1> -> vector<16xf32>
      %reduce_min3A_1197 = vector.extract %reduce_min3A_1196[15] : f32 from vector<16xf32>
      %eq3A_1198 = vector.broadcast %reduce_min3A_1197 : f32 to vector<16xf32>
      %eq3A_1199 = arith.cmpf oeq, %convert_element_type3A, %eq3A_1198 : vector<16xf32>
      %jit3A_1200 = arith.constant 0xFF800000 : f32
      %broadcast_in_dim3A_1201 = vector.broadcast %jit3A_1200 : f32 to vector<16xf32>
      %select_n3A_1202 = arith.select %eq3A_1199, %broadcast_in_dim3A_1201, %get3A_1184 : vector<16xi1>, vector<16xf32>
      %reduce_max3A_1203 = arith.constant true
      %reduce_max3A_1204 = vector.broadcast %reduce_max3A_1203 : i1 to vector<16xi1>
      %reduce_max3A_1205 = tpu.scan <max>, %select_n3A_1202 masked %reduce_max3A_1204 : vector<16xf32>, vector<16xi1> -> vector<16xf32>
      %reduce_max3A_1206 = vector.extract %reduce_max3A_1205[15] : f32 from vector<16xf32>
      %eq3A_1207 = vector.broadcast %reduce_max3A_1206 : f32 to vector<16xf32>
      %eq3A_1208 = arith.cmpf oeq, %select_n3A_1202, %eq3A_1207 : vector<16xf32>
      %jit3A_1209 = arith.constant 1.600000e+01 : f32
      %broadcast_in_dim3A_1210 = vector.broadcast %jit3A_1209 : f32 to vector<16xf32>
      %select_n3A_1211 = arith.select %eq3A_1208, %convert_element_type3A, %broadcast_in_dim3A_1210 : vector<16xi1>, vector<16xf32>
      %reduce_min3A_1212 = arith.constant true
      %reduce_min3A_1213 = vector.broadcast %reduce_min3A_1212 : i1 to vector<16xi1>
      %reduce_min3A_1214 = tpu.scan <min>, %select_n3A_1211 masked %reduce_min3A_1213 : vector<16xf32>, vector<16xi1> -> vector<16xf32>
      %reduce_min3A_1215 = vector.extract %reduce_min3A_1214[15] : f32 from vector<16xf32>
      %eq3A_1216 = vector.broadcast %reduce_min3A_1215 : f32 to vector<16xf32>
      %eq3A_1217 = arith.cmpf oeq, %convert_element_type3A, %eq3A_1216 : vector<16xf32>
      %sub3A_1218 = vector.broadcast %reduce_max3A_1188 : f32 to vector<16xf32>
      %sub3A_1219 = arith.subf %get3A_1184, %sub3A_1218 : vector<16xf32>
      %exp3A_1220 = math.exp %sub3A_1219 : vector<16xf32>
      %reduce_sum3A_1221 = arith.constant true
      %reduce_sum3A_1222 = vector.broadcast %reduce_sum3A_1221 : i1 to vector<16xi1>
      %reduce_sum3A_1223 = tpu.scan <sum>, %exp3A_1220 masked %reduce_sum3A_1222 : vector<16xf32>, vector<16xi1> -> vector<16xf32>
      %reduce_sum3A_1224 = vector.extract %reduce_sum3A_1223[15] : f32 from vector<16xf32>
      %div3A_1225 = vector.broadcast %reduce_sum3A_1224 : f32 to vector<16xf32>
      %div3A_1226 = arith.divf %exp3A_1220, %div3A_1225 : vector<16xf32>
      %add3A_1227 = arith.addf %add3A_1144, %div3A_1226 : vector<16xf32>
      %jit3A_1228 = arith.constant 1.000000e+00 : f32
      %jit3A_1229 = arith.constant 0.000000e+00 : f32
      %broadcast_in_dim3A_1230 = vector.broadcast %jit3A_1228 : f32 to vector<16xf32>
      %broadcast_in_dim3A_1231 = vector.broadcast %jit3A_1229 : f32 to vector<16xf32>
      %select_n3A_1232 = arith.select %eq3A_1199, %broadcast_in_dim3A_1230, %broadcast_in_dim3A_1231 : vector<16xi1>, vector<16xf32>
      %add3A_1233 = arith.addf %add3A_1156, %select_n3A_1232 : vector<16xf32>
      %jit3A_1234 = arith.constant 1.000000e+00 : f32
      %jit3A_1235 = arith.constant 0.000000e+00 : f32
      %broadcast_in_dim3A_1236 = vector.broadcast %jit3A_1234 : f32 to vector<16xf32>
      %broadcast_in_dim3A_1237 = vector.broadcast %jit3A_1235 : f32 to vector<16xf32>
      %select_n3A_1238 = arith.select %eq3A_1217, %broadcast_in_dim3A_1236, %broadcast_in_dim3A_1237 : vector<16xi1>, vector<16xf32>
      %add3A_1239 = arith.addf %add3A_1233, %select_n3A_1238 : vector<16xf32>
      %eq3A_1240 = arith.constant 14 : i32
      %eq3A_1241 = vector.broadcast %eq3A_1240 : i32 to vector<16xi32>
      %eq3A_1242 = arith.cmpi eq, %iota3A, %eq3A_1241 : vector<16xi32>
      %select_n3A_1243 = arith.select %eq3A_1199, %div3A_1226, %broadcast_in_dim3A_9 : vector<16xi1>, vector<16xf32>
      %reduce_sum3A_1244 = arith.constant true
      %reduce_sum3A_1245 = vector.broadcast %reduce_sum3A_1244 : i1 to vector<16xi1>
      %reduce_sum3A_1246 = tpu.scan <sum>, %select_n3A_1243 masked %reduce_sum3A_1245 : vector<16xf32>, vector<16xi1> -> vector<16xf32>
      %reduce_sum3A_1247 = vector.extract %reduce_sum3A_1246[15] : f32 from vector<16xf32>
      %broadcast_in_dim3A_1248 = vector.broadcast %reduce_sum3A_1247 : f32 to vector<16xf32>
      %select_n3A_1249 = arith.select %eq3A_1242, %broadcast_in_dim3A_1248, %select_n3A_1166 : vector<16xi1>, vector<16xf32>
      %select_n3A_1250 = arith.select %eq3A_1217, %div3A_1226, %broadcast_in_dim3A_9 : vector<16xi1>, vector<16xf32>
      %reduce_sum3A_1251 = arith.constant true
      %reduce_sum3A_1252 = vector.broadcast %reduce_sum3A_1251 : i1 to vector<16xi1>
      %reduce_sum3A_1253 = tpu.scan <sum>, %select_n3A_1250 masked %reduce_sum3A_1252 : vector<16xf32>, vector<16xi1> -> vector<16xf32>
      %reduce_sum3A_1254 = vector.extract %reduce_sum3A_1253[15] : f32 from vector<16xf32>
      %broadcast_in_dim3A_1255 = vector.broadcast %reduce_sum3A_1254 : f32 to vector<16xf32>
      %select_n3A_1256 = arith.select %eq3A_1242, %broadcast_in_dim3A_1255, %select_n3A_1173 : vector<16xi1>, vector<16xf32>
      %broadcast_in_dim3A_1257 = vector.broadcast %reduce_min3A_1197 : f32 to vector<16xf32>
      %select_n3A_1258 = arith.select %eq3A_1242, %broadcast_in_dim3A_1257, %select_n3A_1175 : vector<16xi1>, vector<16xf32>
      %broadcast_in_dim3A_1259 = vector.broadcast %reduce_min3A_1215 : f32 to vector<16xf32>
      %select_n3A_1260 = arith.select %eq3A_1242, %broadcast_in_dim3A_1259, %select_n3A_1177 : vector<16xi1>, vector<16xf32>
      %mul3A_1261 = arith.constant 16 : i32
      %mul3A_1262 = arith.muli %scan3A_23, %mul3A_1261 : i32
      %add3A_1263 = arith.constant 15 : i32
      %add3A_1264 = arith.addi %mul3A_1262, %add3A_1263 : i32
      %get3A_1265 = arith.index_cast %add3A_1264 : i32 to index
      %get3A_1266 = arith.constant 0 : index
      %get3A_1267 = tpu.vector_load %arg7[%get3A_1265, %get3A_1266] {strides = array<i32>} : memref<512x16xf32, #tpu.memory_space<vmem>>, vector<16xf32>,
      %reduce_max3A_1268 = arith.constant true
      %reduce_max3A_1269 = vector.broadcast %reduce_max3A_1268 : i1 to vector<16xi1>
      %reduce_max3A_1270 = tpu.scan <max>, %get3A_1267 masked %reduce_max3A_1269 : vector<16xf32>, vector<16xi1> -> vector<16xf32>
      %reduce_max3A_1271 = vector.extract %reduce_max3A_1270[15] : f32 from vector<16xf32>
      %eq3A_1272 = vector.broadcast %reduce_max3A_1271 : f32 to vector<16xf32>
      %eq3A_1273 = arith.cmpf oeq, %get3A_1267, %eq3A_1272 : vector<16xf32>
      %jit3A_1274 = arith.constant 1.600000e+01 : f32
      %broadcast_in_dim3A_1275 = vector.broadcast %jit3A_1274 : f32 to vector<16xf32>
      %select_n3A_1276 = arith.select %eq3A_1273, %convert_element_type3A, %broadcast_in_dim3A_1275 : vector<16xi1>, vector<16xf32>
      %reduce_min3A_1277 = arith.constant true
      %reduce_min3A_1278 = vector.broadcast %reduce_min3A_1277 : i1 to vector<16xi1>
      %reduce_min3A_1279 = tpu.scan <min>, %select_n3A_1276 masked %reduce_min3A_1278 : vector<16xf32>, vector<16xi1> -> vector<16xf32>
      %reduce_min3A_1280 = vector.extract %reduce_min3A_1279[15] : f32 from vector<16xf32>
      %eq3A_1281 = vector.broadcast %reduce_min3A_1280 : f32 to vector<16xf32>
      %eq3A_1282 = arith.cmpf oeq, %convert_element_type3A, %eq3A_1281 : vector<16xf32>
      %jit3A_1283 = arith.constant 0xFF800000 : f32
      %broadcast_in_dim3A_1284 = vector.broadcast %jit3A_1283 : f32 to vector<16xf32>
      %select_n3A_1285 = arith.select %eq3A_1282, %broadcast_in_dim3A_1284, %get3A_1267 : vector<16xi1>, vector<16xf32>
      %reduce_max3A_1286 = arith.constant true
      %reduce_max3A_1287 = vector.broadcast %reduce_max3A_1286 : i1 to vector<16xi1>
      %reduce_max3A_1288 = tpu.scan <max>, %select_n3A_1285 masked %reduce_max3A_1287 : vector<16xf32>, vector<16xi1> -> vector<16xf32>
      %reduce_max3A_1289 = vector.extract %reduce_max3A_1288[15] : f32 from vector<16xf32>
      %eq3A_1290 = vector.broadcast %reduce_max3A_1289 : f32 to vector<16xf32>
      %eq3A_1291 = arith.cmpf oeq, %select_n3A_1285, %eq3A_1290 : vector<16xf32>
      %jit3A_1292 = arith.constant 1.600000e+01 : f32
      %broadcast_in_dim3A_1293 = vector.broadcast %jit3A_1292 : f32 to vector<16xf32>
      %select_n3A_1294 = arith.select %eq3A_1291, %convert_element_type3A, %broadcast_in_dim3A_1293 : vector<16xi1>, vector<16xf32>
      %reduce_min3A_1295 = arith.constant true
      %reduce_min3A_1296 = vector.broadcast %reduce_min3A_1295 : i1 to vector<16xi1>
      %reduce_min3A_1297 = tpu.scan <min>, %select_n3A_1294 masked %reduce_min3A_1296 : vector<16xf32>, vector<16xi1> -> vector<16xf32>
      %reduce_min3A_1298 = vector.extract %reduce_min3A_1297[15] : f32 from vector<16xf32>
      %eq3A_1299 = vector.broadcast %reduce_min3A_1298 : f32 to vector<16xf32>
      %eq3A_1300 = arith.cmpf oeq, %convert_element_type3A, %eq3A_1299 : vector<16xf32>
      %sub3A_1301 = vector.broadcast %reduce_max3A_1271 : f32 to vector<16xf32>
      %sub3A_1302 = arith.subf %get3A_1267, %sub3A_1301 : vector<16xf32>
      %exp3A_1303 = math.exp %sub3A_1302 : vector<16xf32>
      %reduce_sum3A_1304 = arith.constant true
      %reduce_sum3A_1305 = vector.broadcast %reduce_sum3A_1304 : i1 to vector<16xi1>
      %reduce_sum3A_1306 = tpu.scan <sum>, %exp3A_1303 masked %reduce_sum3A_1305 : vector<16xf32>, vector<16xi1> -> vector<16xf32>
      %reduce_sum3A_1307 = vector.extract %reduce_sum3A_1306[15] : f32 from vector<16xf32>
      %div3A_1308 = vector.broadcast %reduce_sum3A_1307 : f32 to vector<16xf32>
      %div3A_1309 = arith.divf %exp3A_1303, %div3A_1308 : vector<16xf32>
      %add3A_1310 = arith.addf %add3A_1227, %div3A_1309 : vector<16xf32>
      %jit3A_1311 = arith.constant 1.000000e+00 : f32
      %jit3A_1312 = arith.constant 0.000000e+00 : f32
      %broadcast_in_dim3A_1313 = vector.broadcast %jit3A_1311 : f32 to vector<16xf32>
      %broadcast_in_dim3A_1314 = vector.broadcast %jit3A_1312 : f32 to vector<16xf32>
      %select_n3A_1315 = arith.select %eq3A_1282, %broadcast_in_dim3A_1313, %broadcast_in_dim3A_1314 : vector<16xi1>, vector<16xf32>
      %add3A_1316 = arith.addf %add3A_1239, %select_n3A_1315 : vector<16xf32>
      %jit3A_1317 = arith.constant 1.000000e+00 : f32
      %jit3A_1318 = arith.constant 0.000000e+00 : f32
      %broadcast_in_dim3A_1319 = vector.broadcast %jit3A_1317 : f32 to vector<16xf32>
      %broadcast_in_dim3A_1320 = vector.broadcast %jit3A_1318 : f32 to vector<16xf32>
      %select_n3A_1321 = arith.select %eq3A_1300, %broadcast_in_dim3A_1319, %broadcast_in_dim3A_1320 : vector<16xi1>, vector<16xf32>
      %add3A_1322 = arith.addf %add3A_1316, %select_n3A_1321 : vector<16xf32>
      %eq3A_1323 = arith.constant 15 : i32
      %eq3A_1324 = vector.broadcast %eq3A_1323 : i32 to vector<16xi32>
      %eq3A_1325 = arith.cmpi eq, %iota3A, %eq3A_1324 : vector<16xi32>
      %select_n3A_1326 = arith.select %eq3A_1282, %div3A_1309, %broadcast_in_dim3A_9 : vector<16xi1>, vector<16xf32>
      %reduce_sum3A_1327 = arith.constant true
      %reduce_sum3A_1328 = vector.broadcast %reduce_sum3A_1327 : i1 to vector<16xi1>
      %reduce_sum3A_1329 = tpu.scan <sum>, %select_n3A_1326 masked %reduce_sum3A_1328 : vector<16xf32>, vector<16xi1> -> vector<16xf32>
      %reduce_sum3A_1330 = vector.extract %reduce_sum3A_1329[15] : f32 from vector<16xf32>
      %broadcast_in_dim3A_1331 = vector.broadcast %reduce_sum3A_1330 : f32 to vector<16xf32>
      %select_n3A_1332 = arith.select %eq3A_1325, %broadcast_in_dim3A_1331, %select_n3A_1249 : vector<16xi1>, vector<16xf32>
      %select_n3A_1333 = arith.select %eq3A_1300, %div3A_1309, %broadcast_in_dim3A_9 : vector<16xi1>, vector<16xf32>
      %reduce_sum3A_1334 = arith.constant true
      %reduce_sum3A_1335 = vector.broadcast %reduce_sum3A_1334 : i1 to vector<16xi1>
      %reduce_sum3A_1336 = tpu.scan <sum>, %select_n3A_1333 masked %reduce_sum3A_1335 : vector<16xf32>, vector<16xi1> -> vector<16xf32>
      %reduce_sum3A_1337 = vector.extract %reduce_sum3A_1336[15] : f32 from vector<16xf32>
      %broadcast_in_dim3A_1338 = vector.broadcast %reduce_sum3A_1337 : f32 to vector<16xf32>
      %select_n3A_1339 = arith.select %eq3A_1325, %broadcast_in_dim3A_1338, %select_n3A_1256 : vector<16xi1>, vector<16xf32>
      %broadcast_in_dim3A_1340 = vector.broadcast %reduce_min3A_1280 : f32 to vector<16xf32>
      %select_n3A_1341 = arith.select %eq3A_1325, %broadcast_in_dim3A_1340, %select_n3A_1258 : vector<16xi1>, vector<16xf32>
      %broadcast_in_dim3A_1342 = vector.broadcast %reduce_min3A_1298 : f32 to vector<16xf32>
      %select_n3A_1343 = arith.select %eq3A_1325, %broadcast_in_dim3A_1342, %select_n3A_1260 : vector<16xi1>, vector<16xf32>
      %mul3A_1344 = arith.constant 16 : i32
      %mul3A_1345 = arith.muli %scan3A_23, %mul3A_1344 : i32
      %swap3A_1346 = arith.constant 0 : i32
      %swap3A_1347 = arith.index_cast %swap3A_1346 : i32 to index
      %swap3A_1348 = arith.index_cast %mul3A_1345 : i32 to index
      %swap3A_1349 = tpu.vector_load %arg8[%swap3A_1347, %swap3A_1348] {strides = array<i32>} : memref<2x512xf32, #tpu.memory_space<vmem>>, vector<16xf32>,
      tpu.vector_store %arg8[%swap3A_1347, %swap3A_1348], %select_n3A_1332 {strides = array<i32>} : memref<2x512xf32, #tpu.memory_space<vmem>>, vector<16xf32>,
      %mul3A_1350 = arith.constant 16 : i32
      %mul3A_1351 = arith.muli %scan3A_23, %mul3A_1350 : i32
      %swap3A_1352 = arith.constant 1 : i32
      %swap3A_1353 = arith.index_cast %swap3A_1352 : i32 to index
      %swap3A_1354 = arith.index_cast %mul3A_1351 : i32 to index
      %swap3A_1355 = tpu.vector_load %arg8[%swap3A_1353, %swap3A_1354] {strides = array<i32>} : memref<2x512xf32, #tpu.memory_space<vmem>>, vector<16xf32>,
      tpu.vector_store %arg8[%swap3A_1353, %swap3A_1354], %select_n3A_1339 {strides = array<i32>} : memref<2x512xf32, #tpu.memory_space<vmem>>, vector<16xf32>,
      %convert_element_type3A_1356 = arith.fptosi %select_n3A_1341 : vector<16xf32> to vector<16xi32>
      %mul3A_1357 = arith.constant 16 : i32
      %mul3A_1358 = arith.muli %scan3A_23, %mul3A_1357 : i32
      %swap3A_1359 = arith.constant 0 : i32
      %swap3A_1360 = arith.index_cast %swap3A_1359 : i32 to index
      %swap3A_1361 = arith.index_cast %mul3A_1358 : i32 to index
      %swap3A_1362 = tpu.vector_load %arg9[%swap3A_1360, %swap3A_1361] {strides = array<i32>} : memref<2x512xi32, #tpu.memory_space<vmem>>, vector<16xi32>,
      tpu.vector_store %arg9[%swap3A_1360, %swap3A_1361], %convert_element_type3A_1356 {strides = array<i32>} : memref<2x512xi32, #tpu.memory_space<vmem>>, vector<16xi32>,
      %convert_element_type3A_1363 = arith.fptosi %select_n3A_1343 : vector<16xf32> to vector<16xi32>
      %mul3A_1364 = arith.constant 16 : i32
      %mul3A_1365 = arith.muli %scan3A_23, %mul3A_1364 : i32
      %swap3A_1366 = arith.constant 1 : i32
      %swap3A_1367 = arith.index_cast %swap3A_1366 : i32 to index
      %swap3A_1368 = arith.index_cast %mul3A_1365 : i32 to index
      %swap3A_1369 = tpu.vector_load %arg9[%swap3A_1367, %swap3A_1368] {strides = array<i32>} : memref<2x512xi32, #tpu.memory_space<vmem>>, vector<16xi32>,
      tpu.vector_store %arg9[%swap3A_1367, %swap3A_1368], %convert_element_type3A_1363 {strides = array<i32>} : memref<2x512xi32, #tpu.memory_space<vmem>>, vector<16xi32>,
      scf.yield %add3A_1322, %add3A_1310 : vector<16xf32>, vector<16xf32>
    }
    %scan3A_14 = arith.constant 32 : i32
    %swap3A = arith.constant 0 : i32
    %swap3A_15 = arith.index_cast %swap3A : i32 to index
    %swap3A_16 = arith.constant 0 : index
    %swap3A_17 = tpu.vector_load %arg10[%swap3A_15, %swap3A_16] {strides = array<i32>} : memref<2x16xf32, #tpu.memory_space<vmem>>, vector<16xf32>,
    tpu.vector_store %arg10[%swap3A_15, %swap3A_16], %scan3A_13#0 {strides = array<i32>} : memref<2x16xf32, #tpu.memory_space<vmem>>, vector<16xf32>,
    %swap3A_18 = arith.constant 1 : i32
    %swap3A_19 = arith.index_cast %swap3A_18 : i32 to index
    %swap3A_20 = arith.constant 0 : index
    %swap3A_21 = tpu.vector_load %arg10[%swap3A_19, %swap3A_20] {strides = array<i32>} : memref<2x16xf32, #tpu.memory_space<vmem>>, vector<16xf32>,
    tpu.vector_store %arg10[%swap3A_19, %swap3A_20], %scan3A_13#1 {strides = array<i32>} : memref<2x16xf32, #tpu.memory_space<vmem>>, vector<16xf32>,
    "tpu.region"() ({
      %run_scoped3A_23 = tpu.sem_alloc : memref<!tpu.dma_semaphore, #tpu.memory_space<semaphore_mem>>
      %dma_start3A_24 = arith.constant 0 : i32
      %dma_start3A_25 = tpu.memref_slice %arg3[%dma_start3A_24, %mul3A_2] : memref<2x16384xf32, #tpu.memory_space<hbm>> -> memref<2x512xf32, #tpu.memory_space<hbm>>
      %dma_start3A_26 = arith.constant 0 : i32
      %dma_start3A_27 = tpu.memref_slice %arg3[%dma_start3A_26, %mul3A_2] : memref<2x16384xf32, #tpu.memory_space<hbm>> -> memref<2x512xf32, #tpu.memory_space<hbm>>
      tpu.enqueue_dma source(%arg8 : memref<2x512xf32, #tpu.memory_space<vmem>>) target(%dma_start3A_27 : memref<2x512xf32, #tpu.memory_space<hbm>>) target_semaphore(%run_scoped3A_23 : memref<!tpu.dma_semaphore, #tpu.memory_space<semaphore_mem>>)
      %dma_wait3A_28 = arith.constant 0 : i32
      %dma_wait3A_29 = tpu.memref_slice %arg3[%dma_wait3A_28, %mul3A_2] : memref<2x16384xf32, #tpu.memory_space<hbm>> -> memref<2x512xf32, #tpu.memory_space<hbm>>
      %dma_wait3A_30 = arith.constant 0 : i32
      %dma_wait3A_31 = tpu.memref_slice %arg3[%dma_wait3A_30, %mul3A_2] : memref<2x16384xf32, #tpu.memory_space<hbm>> -> memref<2x512xf32, #tpu.memory_space<hbm>>
      tpu.wait_dma2 semaphore(%run_scoped3A_23 : memref<!tpu.dma_semaphore, #tpu.memory_space<semaphore_mem>>) src(%arg8 : memref<2x512xf32, #tpu.memory_space<vmem>>) dst(%dma_wait3A_31 : memref<2x512xf32, #tpu.memory_space<hbm>>)
      tpu.yield
    }) : () -> ()
    "tpu.region"() ({
      %run_scoped3A_23 = tpu.sem_alloc : memref<!tpu.dma_semaphore, #tpu.memory_space<semaphore_mem>>
      %dma_start3A_24 = arith.constant 0 : i32
      %dma_start3A_25 = tpu.memref_slice %arg4[%dma_start3A_24, %mul3A_2] : memref<2x16384xi32, #tpu.memory_space<hbm>> -> memref<2x512xi32, #tpu.memory_space<hbm>>
      %dma_start3A_26 = arith.constant 0 : i32
      %dma_start3A_27 = tpu.memref_slice %arg4[%dma_start3A_26, %mul3A_2] : memref<2x16384xi32, #tpu.memory_space<hbm>> -> memref<2x512xi32, #tpu.memory_space<hbm>>
      tpu.enqueue_dma source(%arg9 : memref<2x512xi32, #tpu.memory_space<vmem>>) target(%dma_start3A_27 : memref<2x512xi32, #tpu.memory_space<hbm>>) target_semaphore(%run_scoped3A_23 : memref<!tpu.dma_semaphore, #tpu.memory_space<semaphore_mem>>)
      %dma_wait3A_28 = arith.constant 0 : i32
      %dma_wait3A_29 = tpu.memref_slice %arg4[%dma_wait3A_28, %mul3A_2] : memref<2x16384xi32, #tpu.memory_space<hbm>> -> memref<2x512xi32, #tpu.memory_space<hbm>>
      %dma_wait3A_30 = arith.constant 0 : i32
      %dma_wait3A_31 = tpu.memref_slice %arg4[%dma_wait3A_30, %mul3A_2] : memref<2x16384xi32, #tpu.memory_space<hbm>> -> memref<2x512xi32, #tpu.memory_space<hbm>>
      tpu.wait_dma2 semaphore(%run_scoped3A_23 : memref<!tpu.dma_semaphore, #tpu.memory_space<semaphore_mem>>) src(%arg9 : memref<2x512xi32, #tpu.memory_space<vmem>>) dst(%dma_wait3A_31 : memref<2x512xi32, #tpu.memory_space<hbm>>)
      tpu.yield
    }) : () -> ()
    %run_scoped3A = arith.constant 0 : i32
    "tpu.region"() ({
      %run_scoped3A_23 = tpu.sem_alloc : memref<!tpu.dma_semaphore, #tpu.memory_space<semaphore_mem>>
      %dma_start3A_24 = arith.constant 0 : i32
      %dma_start3A_25 = tpu.memref_slice %arg10[%run_scoped3A, %dma_start3A_24] : memref<2x16xf32, #tpu.memory_space<vmem>> -> memref<1x16xf32, #tpu.memory_space<vmem>>
      %dma_start3A_26 = tpu.memref_squeeze %dma_start3A_25 : memref<1x16xf32, #tpu.memory_space<vmem>> -> memref<16xf32, #tpu.memory_space<vmem>>
      %dma_start3A_27 = arith.constant 0 : i32
      %dma_start3A_28 = tpu.memref_slice %arg5[%add3A, %dma_start3A_27] : memref<32x16xf32, #tpu.memory_space<hbm>> -> memref<1x16xf32, #tpu.memory_space<hbm>>
      %dma_start3A_29 = tpu.memref_squeeze %dma_start3A_28 : memref<1x16xf32, #tpu.memory_space<hbm>> -> memref<16xf32, #tpu.memory_space<hbm>>
      %dma_start3A_30 = arith.constant 0 : i32
      %dma_start3A_31 = tpu.memref_slice %arg5[%add3A, %dma_start3A_30] : memref<32x16xf32, #tpu.memory_space<hbm>> -> memref<1x16xf32, #tpu.memory_space<hbm>>
      %dma_start3A_32 = tpu.memref_squeeze %dma_start3A_31 : memref<1x16xf32, #tpu.memory_space<hbm>> -> memref<16xf32, #tpu.memory_space<hbm>>
      %dma_start3A_33 = arith.constant 0 : i32
      %dma_start3A_34 = tpu.memref_slice %arg10[%run_scoped3A, %dma_start3A_33] : memref<2x16xf32, #tpu.memory_space<vmem>> -> memref<1x16xf32, #tpu.memory_space<vmem>>
      %dma_start3A_35 = tpu.memref_squeeze %dma_start3A_34 : memref<1x16xf32, #tpu.memory_space<vmem>> -> memref<16xf32, #tpu.memory_space<vmem>>
      tpu.enqueue_dma source(%dma_start3A_35 : memref<16xf32, #tpu.memory_space<vmem>>) target(%dma_start3A_32 : memref<16xf32, #tpu.memory_space<hbm>>) target_semaphore(%run_scoped3A_23 : memref<!tpu.dma_semaphore, #tpu.memory_space<semaphore_mem>>)
      %dma_wait3A_36 = arith.constant 0 : i32
      %dma_wait3A_37 = tpu.memref_slice %arg10[%run_scoped3A, %dma_wait3A_36] : memref<2x16xf32, #tpu.memory_space<vmem>> -> memref<1x16xf32, #tpu.memory_space<vmem>>
      %dma_wait3A_38 = tpu.memref_squeeze %dma_wait3A_37 : memref<1x16xf32, #tpu.memory_space<vmem>> -> memref<16xf32, #tpu.memory_space<vmem>>
      %dma_wait3A_39 = arith.constant 0 : i32
      %dma_wait3A_40 = tpu.memref_slice %arg5[%add3A, %dma_wait3A_39] : memref<32x16xf32, #tpu.memory_space<hbm>> -> memref<1x16xf32, #tpu.memory_space<hbm>>
      %dma_wait3A_41 = tpu.memref_squeeze %dma_wait3A_40 : memref<1x16xf32, #tpu.memory_space<hbm>> -> memref<16xf32, #tpu.memory_space<hbm>>
      %dma_wait3A_42 = arith.constant 0 : i32
      %dma_wait3A_43 = tpu.memref_slice %arg5[%add3A, %dma_wait3A_42] : memref<32x16xf32, #tpu.memory_space<hbm>> -> memref<1x16xf32, #tpu.memory_space<hbm>>
      %dma_wait3A_44 = tpu.memref_squeeze %dma_wait3A_43 : memref<1x16xf32, #tpu.memory_space<hbm>> -> memref<16xf32, #tpu.memory_space<hbm>>
      %dma_wait3A_45 = arith.constant 0 : i32
      %dma_wait3A_46 = tpu.memref_slice %arg10[%run_scoped3A, %dma_wait3A_45] : memref<2x16xf32, #tpu.memory_space<vmem>> -> memref<1x16xf32, #tpu.memory_space<vmem>>
      %dma_wait3A_47 = tpu.memref_squeeze %dma_wait3A_46 : memref<1x16xf32, #tpu.memory_space<vmem>> -> memref<16xf32, #tpu.memory_space<vmem>>
      tpu.wait_dma2 semaphore(%run_scoped3A_23 : memref<!tpu.dma_semaphore, #tpu.memory_space<semaphore_mem>>) src(%dma_wait3A_47 : memref<16xf32, #tpu.memory_space<vmem>>) dst(%dma_wait3A_44 : memref<16xf32, #tpu.memory_space<hbm>>)
      tpu.yield
    }) : () -> ()
    %run_scoped3A_22 = arith.constant 1 : i32
    "tpu.region"() ({
      %run_scoped3A_23 = tpu.sem_alloc : memref<!tpu.dma_semaphore, #tpu.memory_space<semaphore_mem>>
      %dma_start3A_24 = arith.constant 0 : i32
      %dma_start3A_25 = tpu.memref_slice %arg10[%run_scoped3A_22, %dma_start3A_24] : memref<2x16xf32, #tpu.memory_space<vmem>> -> memref<1x16xf32, #tpu.memory_space<vmem>>
      %dma_start3A_26 = tpu.memref_squeeze %dma_start3A_25 : memref<1x16xf32, #tpu.memory_space<vmem>> -> memref<16xf32, #tpu.memory_space<vmem>>
      %dma_start3A_27 = arith.constant 0 : i32
      %dma_start3A_28 = tpu.memref_slice %arg6[%add3A, %dma_start3A_27] : memref<32x16xf32, #tpu.memory_space<hbm>> -> memref<1x16xf32, #tpu.memory_space<hbm>>
      %dma_start3A_29 = tpu.memref_squeeze %dma_start3A_28 : memref<1x16xf32, #tpu.memory_space<hbm>> -> memref<16xf32, #tpu.memory_space<hbm>>
      %dma_start3A_30 = arith.constant 0 : i32
      %dma_start3A_31 = tpu.memref_slice %arg6[%add3A, %dma_start3A_30] : memref<32x16xf32, #tpu.memory_space<hbm>> -> memref<1x16xf32, #tpu.memory_space<hbm>>
      %dma_start3A_32 = tpu.memref_squeeze %dma_start3A_31 : memref<1x16xf32, #tpu.memory_space<hbm>> -> memref<16xf32, #tpu.memory_space<hbm>>
      %dma_start3A_33 = arith.constant 0 : i32
      %dma_start3A_34 = tpu.memref_slice %arg10[%run_scoped3A_22, %dma_start3A_33] : memref<2x16xf32, #tpu.memory_space<vmem>> -> memref<1x16xf32, #tpu.memory_space<vmem>>
      %dma_start3A_35 = tpu.memref_squeeze %dma_start3A_34 : memref<1x16xf32, #tpu.memory_space<vmem>> -> memref<16xf32, #tpu.memory_space<vmem>>
      tpu.enqueue_dma source(%dma_start3A_35 : memref<16xf32, #tpu.memory_space<vmem>>) target(%dma_start3A_32 : memref<16xf32, #tpu.memory_space<hbm>>) target_semaphore(%run_scoped3A_23 : memref<!tpu.dma_semaphore, #tpu.memory_space<semaphore_mem>>)
      %dma_wait3A_36 = arith.constant 0 : i32
      %dma_wait3A_37 = tpu.memref_slice %arg10[%run_scoped3A_22, %dma_wait3A_36] : memref<2x16xf32, #tpu.memory_space<vmem>> -> memref<1x16xf32, #tpu.memory_space<vmem>>
      %dma_wait3A_38 = tpu.memref_squeeze %dma_wait3A_37 : memref<1x16xf32, #tpu.memory_space<vmem>> -> memref<16xf32, #tpu.memory_space<vmem>>
      %dma_wait3A_39 = arith.constant 0 : i32
      %dma_wait3A_40 = tpu.memref_slice %arg6[%add3A, %dma_wait3A_39] : memref<32x16xf32, #tpu.memory_space<hbm>> -> memref<1x16xf32, #tpu.memory_space<hbm>>
      %dma_wait3A_41 = tpu.memref_squeeze %dma_wait3A_40 : memref<1x16xf32, #tpu.memory_space<hbm>> -> memref<16xf32, #tpu.memory_space<hbm>>
      %dma_wait3A_42 = arith.constant 0 : i32
      %dma_wait3A_43 = tpu.memref_slice %arg6[%add3A, %dma_wait3A_42] : memref<32x16xf32, #tpu.memory_space<hbm>> -> memref<1x16xf32, #tpu.memory_space<hbm>>
      %dma_wait3A_44 = tpu.memref_squeeze %dma_wait3A_43 : memref<1x16xf32, #tpu.memory_space<hbm>> -> memref<16xf32, #tpu.memory_space<hbm>>
      %dma_wait3A_45 = arith.constant 0 : i32
      %dma_wait3A_46 = tpu.memref_slice %arg10[%run_scoped3A_22, %dma_wait3A_45] : memref<2x16xf32, #tpu.memory_space<vmem>> -> memref<1x16xf32, #tpu.memory_space<vmem>>
      %dma_wait3A_47 = tpu.memref_squeeze %dma_wait3A_46 : memref<1x16xf32, #tpu.memory_space<vmem>> -> memref<16xf32, #tpu.memory_space<vmem>>
      tpu.wait_dma2 semaphore(%run_scoped3A_23 : memref<!tpu.dma_semaphore, #tpu.memory_space<semaphore_mem>>) src(%dma_wait3A_47 : memref<16xf32, #tpu.memory_space<vmem>>) dst(%dma_wait3A_44 : memref<16xf32, #tpu.memory_space<hbm>>)
      tpu.yield
    }) : () -> ()
    return
  }
}

module attributes {stable_mosaic.version = 14 : i64} {
  func.func @_gemm_body(%arg0: i32, %arg1: memref<16384x2048xf32, #tpu.memory_space<any>>, %arg2: memref<2048x16xf32, #tpu.memory_space<vmem>>, %arg3: memref<1x16xf32, #tpu.memory_space<vmem>>, %arg4: memref<512x16xf32, #tpu.memory_space<vmem>>, %arg5: memref<8x512x2048xf32, #tpu.memory_space<vmem>>, %arg6: memref<8x!tpu.dma_semaphore, #tpu.memory_space<semaphore_mem>>) attributes {dimension_semantics = [#tpu.dimension_semantics<arbitrary>], iteration_bounds = array<i64: 32>, scalar_prefetch = 0 : i64, scratch_operands = 2 : i64, tpu.core_type = #tpu.core_type<tc>, window_params = [{}, {pipeline_mode = #tpu.pipeline_mode<synchronous>, transform_indices = @transform_1, window_bounds = array<i64: 2048, 16>}, {pipeline_mode = #tpu.pipeline_mode<synchronous>, transform_indices = @transform_2, window_bounds = array<i64: 1, 16>}, {transform_indices = @transform_3, window_bounds = array<i64: 512, 16>}]} {
    %eq3A = arith.constant 0 : i32
    %eq3A_0 = arith.cmpi eq, %arg0, %eq3A : i32
    %convert_element_type3A = arith.extui %eq3A_0 : i1 to i32
    %cond3A = arith.constant 0 : i32
    %cond3A_1 = arith.cmpi ne, %convert_element_type3A, %cond3A : i32
    scf.if %cond3A_1 {
      %dma_start3A = arith.constant 0 : i32
      %dma_start3A_32 = arith.constant 0 : i32
      %dma_start3A_33 = tpu.memref_slice %arg6[%dma_start3A_32] : memref<8x!tpu.dma_semaphore, #tpu.memory_space<semaphore_mem>> -> memref<1x!tpu.dma_semaphore, #tpu.memory_space<semaphore_mem>>
      %dma_start3A_34 = tpu.memref_squeeze %dma_start3A_33 : memref<1x!tpu.dma_semaphore, #tpu.memory_space<semaphore_mem>> -> memref<!tpu.dma_semaphore, #tpu.memory_space<semaphore_mem>>
      %dma_start3A_35 = arith.constant 0 : i32
      %dma_start3A_36 = arith.constant 0 : i32
      %dma_start3A_37 = tpu.memref_slice %arg5[%dma_start3A, %dma_start3A_35, %dma_start3A_36] : memref<8x512x2048xf32, #tpu.memory_space<vmem>> -> memref<1x512x2048xf32, #tpu.memory_space<vmem>>
      %dma_start3A_38 = tpu.memref_squeeze %dma_start3A_37 : memref<1x512x2048xf32, #tpu.memory_space<vmem>> -> memref<512x2048xf32, #tpu.memory_space<vmem>>
      %dma_start3A_39 = arith.constant 0 : i32
      %dma_start3A_40 = arith.constant 0 : i32
      %dma_start3A_41 = tpu.memref_slice %arg1[%dma_start3A_39, %dma_start3A_40] : memref<16384x2048xf32, #tpu.memory_space<any>> -> memref<512x2048xf32, #tpu.memory_space<any>>
      tpu.enqueue_dma source(%dma_start3A_41 : memref<512x2048xf32, #tpu.memory_space<any>>) target(%dma_start3A_38 : memref<512x2048xf32, #tpu.memory_space<vmem>>) target_semaphore(%dma_start3A_34 : memref<!tpu.dma_semaphore, #tpu.memory_space<semaphore_mem>>)
      %dma_start3A_42 = arith.constant 1 : i32
      %dma_start3A_43 = arith.constant 1 : i32
      %dma_start3A_44 = tpu.memref_slice %arg6[%dma_start3A_43] : memref<8x!tpu.dma_semaphore, #tpu.memory_space<semaphore_mem>> -> memref<1x!tpu.dma_semaphore, #tpu.memory_space<semaphore_mem>>
      %dma_start3A_45 = tpu.memref_squeeze %dma_start3A_44 : memref<1x!tpu.dma_semaphore, #tpu.memory_space<semaphore_mem>> -> memref<!tpu.dma_semaphore, #tpu.memory_space<semaphore_mem>>
      %dma_start3A_46 = arith.constant 0 : i32
      %dma_start3A_47 = arith.constant 0 : i32
      %dma_start3A_48 = tpu.memref_slice %arg5[%dma_start3A_42, %dma_start3A_46, %dma_start3A_47] : memref<8x512x2048xf32, #tpu.memory_space<vmem>> -> memref<1x512x2048xf32, #tpu.memory_space<vmem>>
      %dma_start3A_49 = tpu.memref_squeeze %dma_start3A_48 : memref<1x512x2048xf32, #tpu.memory_space<vmem>> -> memref<512x2048xf32, #tpu.memory_space<vmem>>
      %dma_start3A_50 = arith.constant 512 : i32
      %dma_start3A_51 = arith.constant 0 : i32
      %dma_start3A_52 = tpu.memref_slice %arg1[%dma_start3A_50, %dma_start3A_51] : memref<16384x2048xf32, #tpu.memory_space<any>> -> memref<512x2048xf32, #tpu.memory_space<any>>
      tpu.enqueue_dma source(%dma_start3A_52 : memref<512x2048xf32, #tpu.memory_space<any>>) target(%dma_start3A_49 : memref<512x2048xf32, #tpu.memory_space<vmem>>) target_semaphore(%dma_start3A_45 : memref<!tpu.dma_semaphore, #tpu.memory_space<semaphore_mem>>)
      %dma_start3A_53 = arith.constant 2 : i32
      %dma_start3A_54 = arith.constant 2 : i32
      %dma_start3A_55 = tpu.memref_slice %arg6[%dma_start3A_54] : memref<8x!tpu.dma_semaphore, #tpu.memory_space<semaphore_mem>> -> memref<1x!tpu.dma_semaphore, #tpu.memory_space<semaphore_mem>>
      %dma_start3A_56 = tpu.memref_squeeze %dma_start3A_55 : memref<1x!tpu.dma_semaphore, #tpu.memory_space<semaphore_mem>> -> memref<!tpu.dma_semaphore, #tpu.memory_space<semaphore_mem>>
      %dma_start3A_57 = arith.constant 0 : i32
      %dma_start3A_58 = arith.constant 0 : i32
      %dma_start3A_59 = tpu.memref_slice %arg5[%dma_start3A_53, %dma_start3A_57, %dma_start3A_58] : memref<8x512x2048xf32, #tpu.memory_space<vmem>> -> memref<1x512x2048xf32, #tpu.memory_space<vmem>>
      %dma_start3A_60 = tpu.memref_squeeze %dma_start3A_59 : memref<1x512x2048xf32, #tpu.memory_space<vmem>> -> memref<512x2048xf32, #tpu.memory_space<vmem>>
      %dma_start3A_61 = arith.constant 1024 : i32
      %dma_start3A_62 = arith.constant 0 : i32
      %dma_start3A_63 = tpu.memref_slice %arg1[%dma_start3A_61, %dma_start3A_62] : memref<16384x2048xf32, #tpu.memory_space<any>> -> memref<512x2048xf32, #tpu.memory_space<any>>
      tpu.enqueue_dma source(%dma_start3A_63 : memref<512x2048xf32, #tpu.memory_space<any>>) target(%dma_start3A_60 : memref<512x2048xf32, #tpu.memory_space<vmem>>) target_semaphore(%dma_start3A_56 : memref<!tpu.dma_semaphore, #tpu.memory_space<semaphore_mem>>)
      %dma_start3A_64 = arith.constant 3 : i32
      %dma_start3A_65 = arith.constant 3 : i32
      %dma_start3A_66 = tpu.memref_slice %arg6[%dma_start3A_65] : memref<8x!tpu.dma_semaphore, #tpu.memory_space<semaphore_mem>> -> memref<1x!tpu.dma_semaphore, #tpu.memory_space<semaphore_mem>>
      %dma_start3A_67 = tpu.memref_squeeze %dma_start3A_66 : memref<1x!tpu.dma_semaphore, #tpu.memory_space<semaphore_mem>> -> memref<!tpu.dma_semaphore, #tpu.memory_space<semaphore_mem>>
      %dma_start3A_68 = arith.constant 0 : i32
      %dma_start3A_69 = arith.constant 0 : i32
      %dma_start3A_70 = tpu.memref_slice %arg5[%dma_start3A_64, %dma_start3A_68, %dma_start3A_69] : memref<8x512x2048xf32, #tpu.memory_space<vmem>> -> memref<1x512x2048xf32, #tpu.memory_space<vmem>>
      %dma_start3A_71 = tpu.memref_squeeze %dma_start3A_70 : memref<1x512x2048xf32, #tpu.memory_space<vmem>> -> memref<512x2048xf32, #tpu.memory_space<vmem>>
      %dma_start3A_72 = arith.constant 1536 : i32
      %dma_start3A_73 = arith.constant 0 : i32
      %dma_start3A_74 = tpu.memref_slice %arg1[%dma_start3A_72, %dma_start3A_73] : memref<16384x2048xf32, #tpu.memory_space<any>> -> memref<512x2048xf32, #tpu.memory_space<any>>
      tpu.enqueue_dma source(%dma_start3A_74 : memref<512x2048xf32, #tpu.memory_space<any>>) target(%dma_start3A_71 : memref<512x2048xf32, #tpu.memory_space<vmem>>) target_semaphore(%dma_start3A_67 : memref<!tpu.dma_semaphore, #tpu.memory_space<semaphore_mem>>)
      %dma_start3A_75 = arith.constant 4 : i32
      %dma_start3A_76 = arith.constant 4 : i32
      %dma_start3A_77 = tpu.memref_slice %arg6[%dma_start3A_76] : memref<8x!tpu.dma_semaphore, #tpu.memory_space<semaphore_mem>> -> memref<1x!tpu.dma_semaphore, #tpu.memory_space<semaphore_mem>>
      %dma_start3A_78 = tpu.memref_squeeze %dma_start3A_77 : memref<1x!tpu.dma_semaphore, #tpu.memory_space<semaphore_mem>> -> memref<!tpu.dma_semaphore, #tpu.memory_space<semaphore_mem>>
      %dma_start3A_79 = arith.constant 0 : i32
      %dma_start3A_80 = arith.constant 0 : i32
      %dma_start3A_81 = tpu.memref_slice %arg5[%dma_start3A_75, %dma_start3A_79, %dma_start3A_80] : memref<8x512x2048xf32, #tpu.memory_space<vmem>> -> memref<1x512x2048xf32, #tpu.memory_space<vmem>>
      %dma_start3A_82 = tpu.memref_squeeze %dma_start3A_81 : memref<1x512x2048xf32, #tpu.memory_space<vmem>> -> memref<512x2048xf32, #tpu.memory_space<vmem>>
      %dma_start3A_83 = arith.constant 2048 : i32
      %dma_start3A_84 = arith.constant 0 : i32
      %dma_start3A_85 = tpu.memref_slice %arg1[%dma_start3A_83, %dma_start3A_84] : memref<16384x2048xf32, #tpu.memory_space<any>> -> memref<512x2048xf32, #tpu.memory_space<any>>
      tpu.enqueue_dma source(%dma_start3A_85 : memref<512x2048xf32, #tpu.memory_space<any>>) target(%dma_start3A_82 : memref<512x2048xf32, #tpu.memory_space<vmem>>) target_semaphore(%dma_start3A_78 : memref<!tpu.dma_semaphore, #tpu.memory_space<semaphore_mem>>)
      %dma_start3A_86 = arith.constant 5 : i32
      %dma_start3A_87 = arith.constant 5 : i32
      %dma_start3A_88 = tpu.memref_slice %arg6[%dma_start3A_87] : memref<8x!tpu.dma_semaphore, #tpu.memory_space<semaphore_mem>> -> memref<1x!tpu.dma_semaphore, #tpu.memory_space<semaphore_mem>>
      %dma_start3A_89 = tpu.memref_squeeze %dma_start3A_88 : memref<1x!tpu.dma_semaphore, #tpu.memory_space<semaphore_mem>> -> memref<!tpu.dma_semaphore, #tpu.memory_space<semaphore_mem>>
      %dma_start3A_90 = arith.constant 0 : i32
      %dma_start3A_91 = arith.constant 0 : i32
      %dma_start3A_92 = tpu.memref_slice %arg5[%dma_start3A_86, %dma_start3A_90, %dma_start3A_91] : memref<8x512x2048xf32, #tpu.memory_space<vmem>> -> memref<1x512x2048xf32, #tpu.memory_space<vmem>>
      %dma_start3A_93 = tpu.memref_squeeze %dma_start3A_92 : memref<1x512x2048xf32, #tpu.memory_space<vmem>> -> memref<512x2048xf32, #tpu.memory_space<vmem>>
      %dma_start3A_94 = arith.constant 2560 : i32
      %dma_start3A_95 = arith.constant 0 : i32
      %dma_start3A_96 = tpu.memref_slice %arg1[%dma_start3A_94, %dma_start3A_95] : memref<16384x2048xf32, #tpu.memory_space<any>> -> memref<512x2048xf32, #tpu.memory_space<any>>
      tpu.enqueue_dma source(%dma_start3A_96 : memref<512x2048xf32, #tpu.memory_space<any>>) target(%dma_start3A_93 : memref<512x2048xf32, #tpu.memory_space<vmem>>) target_semaphore(%dma_start3A_89 : memref<!tpu.dma_semaphore, #tpu.memory_space<semaphore_mem>>)
      %dma_start3A_97 = arith.constant 6 : i32
      %dma_start3A_98 = arith.constant 6 : i32
      %dma_start3A_99 = tpu.memref_slice %arg6[%dma_start3A_98] : memref<8x!tpu.dma_semaphore, #tpu.memory_space<semaphore_mem>> -> memref<1x!tpu.dma_semaphore, #tpu.memory_space<semaphore_mem>>
      %dma_start3A_100 = tpu.memref_squeeze %dma_start3A_99 : memref<1x!tpu.dma_semaphore, #tpu.memory_space<semaphore_mem>> -> memref<!tpu.dma_semaphore, #tpu.memory_space<semaphore_mem>>
      %dma_start3A_101 = arith.constant 0 : i32
      %dma_start3A_102 = arith.constant 0 : i32
      %dma_start3A_103 = tpu.memref_slice %arg5[%dma_start3A_97, %dma_start3A_101, %dma_start3A_102] : memref<8x512x2048xf32, #tpu.memory_space<vmem>> -> memref<1x512x2048xf32, #tpu.memory_space<vmem>>
      %dma_start3A_104 = tpu.memref_squeeze %dma_start3A_103 : memref<1x512x2048xf32, #tpu.memory_space<vmem>> -> memref<512x2048xf32, #tpu.memory_space<vmem>>
      %dma_start3A_105 = arith.constant 3072 : i32
      %dma_start3A_106 = arith.constant 0 : i32
      %dma_start3A_107 = tpu.memref_slice %arg1[%dma_start3A_105, %dma_start3A_106] : memref<16384x2048xf32, #tpu.memory_space<any>> -> memref<512x2048xf32, #tpu.memory_space<any>>
      tpu.enqueue_dma source(%dma_start3A_107 : memref<512x2048xf32, #tpu.memory_space<any>>) target(%dma_start3A_104 : memref<512x2048xf32, #tpu.memory_space<vmem>>) target_semaphore(%dma_start3A_100 : memref<!tpu.dma_semaphore, #tpu.memory_space<semaphore_mem>>)
    } else {
    }
    %add3A = arith.constant 8 : i32
    %add3A_2 = arith.addi %arg0, %add3A : i32
    %sub3A = arith.constant 1 : i32
    %sub3A_3 = arith.subi %add3A_2, %sub3A : i32
    %lt3A = arith.constant 32 : i32
    %lt3A_4 = arith.cmpi slt, %sub3A_3, %lt3A : i32
    %convert_element_type3A_5 = arith.extui %lt3A_4 : i1 to i32
    %cond3A_6 = arith.constant 0 : i32
    %cond3A_7 = arith.cmpi ne, %convert_element_type3A_5, %cond3A_6 : i32
    scf.if %cond3A_7 {
      %jit3A = arith.constant 8 : i32
      %eq3A_32 = arith.constant 0 : i32
      %eq3A_33 = arith.cmpi eq, %jit3A, %eq3A_32 : i32
      %jit3A_34 = arith.constant 1 : i32
      %select_n3A = arith.select %eq3A_33, %jit3A_34, %jit3A : i32
      %rem3A_35 = arith.remsi %sub3A_3, %select_n3A : i32
      %ne3A = arith.constant 0 : i32
      %ne3A_36 = arith.cmpi ne, %rem3A_35, %ne3A : i32
      %lt3A_37 = arith.constant 0 : i32
      %lt3A_38 = arith.cmpi slt, %rem3A_35, %lt3A_37 : i32
      %lt3A_39 = arith.constant 0 : i32
      %lt3A_40 = arith.cmpi slt, %select_n3A, %lt3A_39 : i32
      %ne3A_41 = arith.xori %lt3A_38, %lt3A_40 : i1
      %and3A = arith.andi %ne3A_41, %ne3A_36 : i1
      %add3A_42 = arith.addi %rem3A_35, %select_n3A : i32
      %select_n3A_43 = arith.select %and3A, %add3A_42, %rem3A_35 : i32
      %mul3A_44 = arith.constant 512 : i32
      %mul3A_45 = arith.muli %sub3A_3, %mul3A_44 : i32
      %dma_start3A = tpu.memref_slice %arg6[%select_n3A_43] : memref<8x!tpu.dma_semaphore, #tpu.memory_space<semaphore_mem>> -> memref<1x!tpu.dma_semaphore, #tpu.memory_space<semaphore_mem>>
      %dma_start3A_46 = tpu.memref_squeeze %dma_start3A : memref<1x!tpu.dma_semaphore, #tpu.memory_space<semaphore_mem>> -> memref<!tpu.dma_semaphore, #tpu.memory_space<semaphore_mem>>
      %dma_start3A_47 = arith.constant 0 : i32
      %dma_start3A_48 = arith.constant 0 : i32
      %dma_start3A_49 = tpu.memref_slice %arg5[%select_n3A_43, %dma_start3A_47, %dma_start3A_48] : memref<8x512x2048xf32, #tpu.memory_space<vmem>> -> memref<1x512x2048xf32, #tpu.memory_space<vmem>>
      %dma_start3A_50 = tpu.memref_squeeze %dma_start3A_49 : memref<1x512x2048xf32, #tpu.memory_space<vmem>> -> memref<512x2048xf32, #tpu.memory_space<vmem>>
      %dma_start3A_51 = arith.constant 0 : i32
      %dma_start3A_52 = tpu.memref_slice %arg1[%mul3A_45, %dma_start3A_51] : memref<16384x2048xf32, #tpu.memory_space<any>> -> memref<512x2048xf32, #tpu.memory_space<any>>
      tpu.enqueue_dma source(%dma_start3A_52 : memref<512x2048xf32, #tpu.memory_space<any>>) target(%dma_start3A_50 : memref<512x2048xf32, #tpu.memory_space<vmem>>) target_semaphore(%dma_start3A_46 : memref<!tpu.dma_semaphore, #tpu.memory_space<semaphore_mem>>)
    } else {
    }
    %rem3A = arith.constant 8 : i32
    %rem3A_8 = arith.remsi %arg0, %rem3A : i32
    %mul3A = arith.constant 512 : i32
    %mul3A_9 = arith.muli %arg0, %mul3A : i32
    %dma_wait3A = tpu.memref_slice %arg6[%rem3A_8] : memref<8x!tpu.dma_semaphore, #tpu.memory_space<semaphore_mem>> -> memref<1x!tpu.dma_semaphore, #tpu.memory_space<semaphore_mem>>
    %dma_wait3A_10 = tpu.memref_squeeze %dma_wait3A : memref<1x!tpu.dma_semaphore, #tpu.memory_space<semaphore_mem>> -> memref<!tpu.dma_semaphore, #tpu.memory_space<semaphore_mem>>
    %dma_wait3A_11 = arith.constant 0 : i32
    %dma_wait3A_12 = arith.constant 0 : i32
    %dma_wait3A_13 = tpu.memref_slice %arg5[%rem3A_8, %dma_wait3A_11, %dma_wait3A_12] : memref<8x512x2048xf32, #tpu.memory_space<vmem>> -> memref<1x512x2048xf32, #tpu.memory_space<vmem>>
    %dma_wait3A_14 = tpu.memref_squeeze %dma_wait3A_13 : memref<1x512x2048xf32, #tpu.memory_space<vmem>> -> memref<512x2048xf32, #tpu.memory_space<vmem>>
    %dma_wait3A_15 = arith.constant 0 : i32
    %dma_wait3A_16 = tpu.memref_slice %arg1[%mul3A_9, %dma_wait3A_15] : memref<16384x2048xf32, #tpu.memory_space<any>> -> memref<512x2048xf32, #tpu.memory_space<any>>
    tpu.wait_dma2 semaphore(%dma_wait3A_10 : memref<!tpu.dma_semaphore, #tpu.memory_space<semaphore_mem>>) src(%dma_wait3A_16 : memref<512x2048xf32, #tpu.memory_space<any>>) dst(%dma_wait3A_14 : memref<512x2048xf32, #tpu.memory_space<vmem>>)
    %get3A = arith.index_cast %rem3A_8 : i32 to index
    %get3A_17 = arith.constant 0 : index
    %get3A_18 = arith.constant 0 : index
    %get3A_19 = vector.load %arg5[%get3A, %get3A_17, %get3A_18] : memref<8x512x2048xf32, #tpu.memory_space<vmem>>, vector<1x512x2048xf32>
    %get3A_20 = vector.shape_cast %get3A_19 : vector<1x512x2048xf32> to vector<512x2048xf32>
    %get3A_21 = arith.constant 0 : index
    %get3A_22 = arith.constant 0 : index
    %get3A_23 = vector.load %arg2[%get3A_21, %get3A_22] : memref<2048x16xf32, #tpu.memory_space<vmem>>, vector<2048x16xf32>
    %dot_general3A = arith.constant dense<0.000000e+00> : vector<512x16xf32>
    %dot_general3A_24 = tpu.matmul %get3A_20, %get3A_23, %dot_general3A {dimension_numbers = #tpu.dot_dimension_numbers<[1], [0], [0], [1], [0, 0, 1, 1], [], []>, transpose_lhs_hint = false} : vector<512x2048xf32>, vector<2048x16xf32>, vector<512x16xf32> -> vector<512x16xf32>
    %get3A_25 = arith.constant 0 : index
    %get3A_26 = arith.constant 0 : index
    %get3A_27 = vector.load %arg3[%get3A_25, %get3A_26] : memref<1x16xf32, #tpu.memory_space<vmem>>, vector<1x16xf32>
    %add3A_28 = vector.broadcast %get3A_27 : vector<1x16xf32> to vector<512x16xf32>
    %add3A_29 = arith.addf %dot_general3A_24, %add3A_28 : vector<512x16xf32>
    %swap3A = arith.constant 0 : index
    %swap3A_30 = arith.constant 0 : index
    %swap3A_31 = vector.load %arg4[%swap3A, %swap3A_30] : memref<512x16xf32, #tpu.memory_space<vmem>>, vector<512x16xf32>
    tpu.vector_store %arg4[%swap3A, %swap3A_30], %add3A_29 {strides = array<i32>} : memref<512x16xf32, #tpu.memory_space<vmem>>, vector<512x16xf32>,
    return
  }
  func.func @transform_1(%arg0: i32) -> (i32, i32) {
    %c0_i32 = arith.constant 0 : i32
    %c0_i32_0 = arith.constant 0 : i32
    %c0_i32_1 = arith.constant 0 : i32
    return %c0_i32, %c0_i32_0 : i32, i32
  }
  func.func @transform_2(%arg0: i32) -> (i32, i32) {
    %c0_i32 = arith.constant 0 : i32
    %c0_i32_0 = arith.constant 0 : i32
    %c0_i32_1 = arith.constant 0 : i32
    return %c0_i32, %c0_i32_0 : i32, i32
  }
  func.func @transform_3(%arg0: i32) -> (i32, i32) {
    %c0_i32 = arith.constant 0 : i32
    %c0_i32_0 = arith.constant 0 : i32
    return %arg0, %c0_i32 : i32, i32
  }
}

</mosaic_0001>

<sc_bundles>
// kernel: _router.4.cloned.1.call-start
scs
__scs_entry_jumppad:
0x0: {  	(pc) =	sbr.rel $0x88, $3  }
0x1: {  	(tag) =	ssettag $0x0;
	lr =	simm.s32 $0x1  }
0x2: {  	[smem:$0x3F9E] =	sst lr;
	_ =	strace $0xD0000000  }
0x3: {  	_ = 	snop  }
0x4: {  	_ = 	snop  }
0x5: {  	_ = 	snop  }
0x6: {  	_ = 	snop  }
0x7: {  	_ = 	snop  }
__scs_overlays_trampoline_lowered:
0x8: {  	[smem:$0x3FAD] =	sst s0  }
0x9: {  	[smem:$0x3FAE] =	sst s1  }
0xa: {  	[smem:$0x3FAF] =	sst s2  }
0xb: {  	[smem:$0x3FB0] =	sst s3  }
0xc: {  	[smem:$0x3FB1] =	sst s4  }
0xd: {  	[smem:$0x3FB2] =	sst s5  }
0xe: {  	[smem:$0x3FB3] =	sst s6  }
0xf: {  	[smem:$0x3FB4] =	sst s7  }
0x10: {  	[smem:$0x3FB5] =	sst s8  }
0x11: {  	[smem:$0x3FB6] =	sst s9;
	s0 =	simm.s32 @!p0 $0x0  }
0x12: {  	s1 =	sld [smem:$0x3F9C];
	s0 =	simm.s32 @p0 $0x1  }
0x13: {  	[smem:$0x3FB7] =	sst s0;
	s0 =	simm.s32 @!p1 $0x0  }
0x14: {  	s2 =	sld [smem:$0x3F9B];
	s0 =	simm.s32 @p1 $0x1  }
0x15: {  	[smem:$0x3FB8] =	sst s0;
	s0 =	simm.s32 @!p2 $0x0  }
0x16: {  	s3 =	sld [smem:$0x3FDB];
	s0 =	simm.s32 @p2 $0x1  }
0x17: {  	s4 =	simm.s32 $0x1BF5;
	[smem:$0x3FBA] =	sst s0  }
0x18: {  	s0 =	sld [smem:$0x3F9D];
	_ =	swait.ge [sflag:s4], $0x0  }
0x19: {  	s7 =	sld [smem:$0x3F9E]  }
0x1a: {  	s8 =	sadd.s32 $0xFFFFE003, lr  }
0x1b: {  	s9 =	sadd.s32 $0xFFFFFEF7, lr;
	s5 =	simm.s32 $0xFFFFFFFF;
	p2 =	slt.u32 s8, $0xFFFFF086  }
0x1c: {  	p1 =	slt.u32 s9, $0xF7A;
	s5 =	simm.s32 @!p2 $0x0  }
0x1d: {  	s5 =	simm.s32 @p1 $0x1;
	p0 =	seq.s32 s7, s2  }
0x1e: {  	s7 =	smul.u32 @!p0 $0xF7A, s2;
	p2 =	seq.s32 @!p0 s5, $0x0  }
0x1f: {  	s9 =	smul.u32 $0xF7A, s1;
	s8 =	simm.s32 @!p0 $0x1BF5;
	p2 =	por !p2, p0  }
0x20: {  	[sflag:s8] =	ssyncset.s32 @!p0 $0xFFFFF086;
	s6 =	sadd.s32 @!p0 s3, s7;
	s7 =	simm.s32 @!p0 $0x108  }
0x21: {  	s3 =	sadd.s32 s3, s9;
	s6 =	sadd.s32 @!p0 $0x88, s6;
	s7 =	simm.s32 @p2 $0x1082  }
0x22: {  	[simem:s7], [sflag:s8] =	dma.local @!p0 [hbm:s6], $0xF7A  }
0x23: {  	s9 =	sor.u32 $0xD0000000, s2;
	s6 =	simm.s32 $0x108;
	_ =	swait.ge @!p0 [sflag:s8], $0x0  }
0x24: {  	s3 =	sadd.s32 $0x88, s3;
	s6 =	simm.s32 @!p1 $0x1082;
	[sflag:s4] =	ssyncset.s32 $0xFFFFF086  }
0x25: {  	[simem:s6], [sflag:s4] =	dma.local [hbm:s3], $0xF7A  }
0x26: {  	[smem:$0x3F9E] =	sst s1;
	(tag) =	ssettag s2;
	_ =	strace s9  }
0x27: {  	s1 =	sld [smem:$0x3FAE]  }
0x28: {  	s2 =	sld [smem:$0x3FAF]  }
0x29: {  	s4 =	sld [smem:$0x3FB1]  }
0x2a: {  	p0 =	seq.s32 s5, $0x0;
	s5 =	sld [smem:$0x3FB2]  }
0x2b: {  	s6 =	sld [smem:$0x3FB3]  }
0x2c: {  	s7 =	sld [smem:$0x3FB4]  }
0x2d: {  	s3 =	simm.s32 $0x108;
	s8 =	sld [smem:$0x3FB5]  }
0x2e: {  	s3 =	simm.s32 @!p0 $0x1082;
	s9 =	sld [smem:$0x3FB6]  }
0x2f: {  	lr =	sadd.s32 s0, s3;
	s0 =	sld [smem:$0x3FAD]  }
0x30: {  	s3 =	sld [smem:$0x3FB0]  }
0x31: {  	[smem:$0x3FB9] =	sst s10  }
0x32: {  	s10 =	sld [smem:$0x3FB7];
	_ =	sdelay $0x3  }
0x33: {  	p0 =	seq.s32 s10, $0x1;
	s10 =	sld [smem:$0x3FB9];
	_ =	sdelay $0x3  }
0x34: {  	[smem:$0x3FB9] =	sst s10  }
0x35: {  	s10 =	sld [smem:$0x3FB8];
	_ =	sdelay $0x3  }
0x36: {  	p1 =	seq.s32 s10, $0x1;
	s10 =	sld [smem:$0x3FB9];
	_ =	sdelay $0x3  }
0x37: {  	[smem:$0x3FB9] =	sst s10  }
0x38: {  	s10 =	sld [smem:$0x3FBA]  }
0x39: {  	_ = 	snop;
	(pc) =	sbr.ind lr, $3  }
0x3a: {  	_ = 	snop  }
0x3b: {  	_ = 	snop  }
0x3c: {  	p2 =	seq.s32 s10, $0x1;
	s10 =	sld [smem:$0x3FB9]  }
0x3d: {  	_ =	shalt  }
0x3e: {  	_ =	shalt  }
0x3f: {  	_ =	shalt  }
0x40: {  	_ =	shalt  }
0x41: {  	_ =	shalt  }
0x42: {  	_ =	shalt  }
0x43: {  	_ =	shalt  }
0x44: {  	_ =	shalt  }
0x45: {  	_ =	shalt  }
0x46: {  	_ =	shalt  }
0x47: {  	_ =	shalt  }
0x48: {  	_ =	shalt  }
0x49: {  	_ =	shalt  }
0x4a: {  	_ =	shalt  }
0x4b: {  	_ =	shalt  }
0x4c: {  	_ =	shalt  }
0x4d: {  	_ =	shalt  }
0x4e: {  	_ =	shalt  }
0x4f: {  	_ =	shalt  }
0x50: {  	_ =	shalt  }
0x51: {  	_ =	shalt  }
0x52: {  	_ =	shalt  }
0x53: {  	_ =	shalt  }
0x54: {  	_ =	shalt  }
0x55: {  	_ =	shalt  }
0x56: {  	_ =	shalt  }
0x57: {  	_ =	shalt  }
0x58: {  	_ =	shalt  }
0x59: {  	_ =	shalt  }
0x5a: {  	_ =	shalt  }
0x5b: {  	_ =	shalt  }
0x5c: {  	_ =	shalt  }
0x5d: {  	_ =	shalt  }
0x5e: {  	_ =	shalt  }
0x5f: {  	_ =	shalt  }
0x60: {  	_ =	shalt  }
0x61: {  	_ =	shalt  }
0x62: {  	_ =	shalt  }
0x63: {  	_ =	shalt  }
0x64: {  	_ =	shalt  }
0x65: {  	_ =	shalt  }
0x66: {  	_ =	shalt  }
0x67: {  	_ =	shalt  }
0x68: {  	_ =	shalt  }
0x69: {  	_ =	shalt  }
0x6a: {  	_ =	shalt  }
0x6b: {  	_ =	shalt  }
0x6c: {  	_ =	shalt  }
0x6d: {  	_ =	shalt  }
0x6e: {  	_ =	shalt  }
0x6f: {  	_ =	shalt  }
0x70: {  	_ =	shalt  }
0x71: {  	_ =	shalt  }
0x72: {  	_ =	shalt  }
0x73: {  	_ =	shalt  }
0x74: {  	_ =	shalt  }
0x75: {  	_ =	shalt  }
0x76: {  	_ =	shalt  }
0x77: {  	_ =	shalt  }
0x78: {  	_ =	shalt  }
0x79: {  	_ =	shalt  }
0x7a: {  	_ =	shalt  }
0x7b: {  	_ =	shalt  }
0x7c: {  	_ =	shalt  }
0x7d: {  	_ =	shalt  }
0x7e: {  	_ =	shalt  }
0x7f: {  	_ =	shalt  }
0x80: {  	_ =	shalt  }
0x81: {  	_ =	shalt  }
0x82: {  	_ =	shalt  }
0x83: {  	_ =	shalt  }
0x84: {  	_ =	shalt  }
0x85: {  	_ =	shalt  }
0x86: {  	_ =	shalt  }
0x87: {  	_ =	shalt  }
.Lfunc_end0:
.L_simem_size_0:
called_computation_lowered:
.L_overlay_start_0:
0x88: {  	s2 =	sld [smem:$0x3FD9]  }
0x89: {  	s3 =	sld [smem:$0x3FFE];
	_ =	sdelay $0x1  }
0x8a: {  	s1 =	srdreg.scid  }
0x8b: {  	s0 =	sand.u32 $0x1, s1  }
0x8c: {  	s14 =	sshll.u32 s0, $0xA;
	s2 =	sadd.s32 s3, s2  }
0x8d: {  	s2 =	sadd.s32 s2, s14  }
0x8e: {  	[smem:$0x3FC5] =	sst s2  }
0x8f: {  	_ = 	snop  }
0x90: {  	s2 =	sld [smem:$0x3FD0];
	_ =	sdelay $0x2  }
0x91: {  	s15 =	simm.s32 $0xA;
	s4 =	simm.s32 $0x10  }
0x92: {  	[smem:s4], [sflag:s15] =	dma.local [hbm:s2], $0x1  }
0x93: {  	_ =	swait.eq [sflag:s15], $0x1  }
0x94: {  	[sflag:s15] =	ssyncset.done $0x0  }
0x95: {  	s16 =	sld [smem:$0x10];
	[sflag:s15] =	ssyncadd.s32 $0xFFFFFFFF  }
0x96: {  	s17 =	sld [smem:$0x11];
	(tm) =	ssettm $0x1  }
0x97: {  	s18 =	sld [smem:$0x3FFB];
	_ =	sdelay $0x3  }
0x98: {  	_ =	strace s18  }
0x99: {  	s4 =	sld [smem:$0x3FFC];
	_ =	sdelay $0x3  }
0x9a: {  	_ =	strace s4  }
0x9b: {  	s4 =	sld [smem:$0x3FFD];
	_ =	sdelay $0x3  }
0x9c: {  	_ =	strace s4  }
0x9d: {  	_ =	strace $0x8FFFFFFF  }
0x9e: {  	s19 =	sld [smem:$0x3FDB];
	_ =	sdelay $0x1  }
0x9f: {  	s5 =	simm.s32 $_scs_section_size  }
0xa0: {  	s6 =	simm.s32 $_size__tile_overlayer_lowered;
	s7 =	simm.s32 $_tile_overlayer_lowered  }
0xa1: {  	s22 =	simm.s32 $0x1BFF;
	s21 =	sshll.u32 s7, $0x1;
	s4 =	sadd.s32 s5, s19  }
0xa2: {  	s8 =	simm.s32 $0x0;
	s20 =	sshll.u32 s6, $0x1;
	s6 =	sadd.s32 s21, s4  }
0xa3: {  	[timem:s8], [sflag:s22] =	dma.local [hbm:s6], s20  }
0xa4: {  	_ =	swait.ge [sflag:s22], s20  }
0xa5: {  	s5 =	ssub.s32 $0x0, s20;
	[sflag:s22] =	ssyncset.done $0x0  }
0xa6: {  	[sflag:s22] =	ssyncadd.s32 s5;
	_ =	sdelay $0x1  }
0xa7: {  	s23 =	simm.s32 $0x1B8B  }
0xa8: {  	_ =	swait.ge [sflag:s23], $0x1  }
0xa9: {  	[sflag:s23] =	ssyncset.done $0x0  }
0xaa: {  	s25 =	simm.s32 $0x1B8E;
	s24 =	sld [smem:$0x3FFE];
	[sflag:s23] =	ssyncadd.s32 $0xFFFFFFFF  }
0xab: {  	s26 =	simm.s32 $execute0_lowered;
	[smem:$0x3FD2] =	sst s25  }
0xac: {  	s6 =	sshll.u32 s26, $0x1;
	_ =	strace $0x80000046;
	[dreg:$0x1] =	wrdreg $0xFFFFFFFF  }
0xad: {  	s28 =	simm.s32 $_size_execute0_lowered;
	s4 =	sadd.s32 s4, s6;
	[dreg:$0x0] =	wrdreg $0x0  }
0xae: {  	s6 =	sshll.u32 s28, $0x1;
	[dreg:$0x2] =	wrdreg s4  }
0xaf: {  	[dreg:$0x3] =	wrdreg s6  }
0xb0: {  	[dreg:$0x4] =	wrdreg $0xC0  }
0xb1: {  	_ =	task [dreg:s8], $0x5FFFF  }
0xb2: {  	[dreg:$0x1] =	wrdreg $0xFFFFFFFF  }
0xb3: {  	[dreg:$0x0] =	wrdreg $0x60  }
0xb4: {  	[dreg:$0x2] =	wrdreg s24  }
0xb5: {  	[dreg:$0x3] =	wrdreg s16  }
0xb6: {  	[dreg:$0x4] =	wrdreg s17  }
0xb7: {  	[dreg:$0x5] =	wrdreg $0x9  }
0xb8: {  	_ =	task.clear_ibuf [dreg:s8], $0x6FFFF;
	_ =	strace $0x90000046  }
0xb9: {  	s29 =	simm.s32 $0x9;
	_ =	strace $0x80000048  }
0xba: {  	_ =	swait.ge [sflag:s29], $0x1  }
0xbb: {  	[sflag:s29] =	ssyncadd.s32 $0xFFFFFFFF  }
0xbc: {  	_ =	strace $0x90000048  }
0xbd: {  	_ =	sfence  }
0xbe: {  	s30 =	sld [smem:$0x0];
	_ =	sdelay $0x2  }
0xbf: {  	s31 =	sshll.u32 s1, $0xD;
	s1 =	sshrl.u32 s1, $0x2  }
0xc0: {  	s3 =	sand.u32 $0x4000, s31;
	s1 =	sadd.s32 s1, s30  }
0xc1: {  	s0 =	sor.u32 s3, s0;
	s1 =	sshll.u32 s1, $0x11  }
0xc2: {  	s0 =	sor.u32 s1, s0  }
0xc3: {  	s0 =	sadd.s32 $0x8F2B, s0  }
0xc4: {  	[sflag:s0] =	ssyncadd.remote.s32 $0x1  }
0xc5: {  	_ =	sfence.sel $0xFFFF  }
0xc6: {  	[dreg:$0x0] =	wrdreg $0xFFFFFFFF;
	(pc) =	sbr.abs _section_cstart, $3  }
0xc7: {  	[dreg:$0x1] =	wrdreg $0xFFFFFFFF  }
0xc8: {  	_ =	task.clear_ibuf [dreg:s8], $0x2FFFF;
	_ =	strace $0x9FFFFFFF  }
0xc9: {  	(tm) =	ssettm $0x7FFFFFFF  }
tec
execute0_lowered:
.L_overlay_start_1:
0x0: {  	(tag) =	ssettag $0x1  }
0x1: {  	v0 =	vimm.f32 $1.500000000e+01;
	vm0 =	vcmask $0x300  }
0x2: {  	v0 =	vsel vm0, $0x0, v0;
	vm0 =	vcmask $0x704  }
0x3: {  	v0 =	vsel vm0, $0x3F800000, v0;
	vm0 =	vcmask $0xB08  }
0x4: {  	v0 =	vsel vm0, $0x40000000, v0;
	vm0 =	vcmask $0xF0C  }
0x5: {  	v0 =	vsel vm0, $0x40400000, v0;
	vm0 =	vcmask $0x1310  }
0x6: {  	v0 =	vsel vm0, $0x40800000, v0;
	vm0 =	vcmask $0x1714  }
0x7: {  	v0 =	vsel vm0, $0x40A00000, v0;
	vm0 =	vcmask $0x1B18  }
0x8: {  	v0 =	vsel vm0, $0x40C00000, v0;
	vm0 =	vcmask $0x1F1C  }
0x9: {  	v0 =	vsel vm0, $0x40E00000, v0;
	vm0 =	vcmask $0x2320  }
0xa: {  	v0 =	vsel vm0, $0x41000000, v0;
	vm0 =	vcmask $0x2724  }
0xb: {  	v0 =	vsel vm0, $0x41100000, v0;
	vm0 =	vcmask $0x2B28  }
0xc: {  	v0 =	vsel vm0, $0x41200000, v0;
	vm0 =	vcmask $0x2F2C  }
0xd: {  	v0 =	vsel vm0, $0x41300000, v0;
	vm0 =	vcmask $0x3330  }
0xe: {  	s3 =	rddreg [dreg:$0x0];
	v0 =	vsel vm0, $0x41400000, v0;
	vm0 =	vcmask $0x3734  }
0xf: {  	s4 =	rddreg [dreg:$0x1];
	v0 =	vsel vm0, $0x41500000, v0;
	vm0 =	vcmask $0x3B38  }
0x10: {  	s5 =	rddreg [dreg:$0x2];
	s2 =	simm.s32 $0x0;
	v1 =	vimm.s32 $0x0;
	v0 =	vsel vm0, $0x41600000, v0;
	vm0 =	vmmov $0x3  }
0x11: {  	[smem:$0x7FF] =	sst s2;
	v1 =	vsel vm0, $0xFFFFFFFF, v1  }
0x12: {  	s0 =	rddreg [dreg:$0x3];
	_ =	strace $0x80000047;
	vm0 =	vmmov $0x7;
	[tilespmem:$0x1FF60] =	vst v1;
	v1 =	vimm.s32 $0x0  }
0x13: {  	v1 =	vsel vm0, $0xFFFFFFFF, v1  }
0x14: {  	vm8 =	vmmov $0x1f;
	[tilespmem:$0x1FF70] =	vst v1;
	v1 =	vimm.s32 $0x0  }
0x15: {  	v1 =	vsel vm8, $0xFFFFFFFF, v1  }
0x16: {  	vm2 =	vmmov $0x3f;
	[tilespmem:$0x1FF80] =	vst v1;
	v1 =	vimm.s32 $0x0  }
0x17: {  	v1 =	vsel vm2, $0xFFFFFFFF, v1  }
0x18: {  	vm1 =	vmmov $0x7f;
	[tilespmem:$0x1FF90] =	vst v1;
	v1 =	vimm.s32 $0x0  }
0x19: {  	v1 =	vsel vm1, $0xFFFFFFFF, v1  }
0x1a: {  	vm4 =	vmmov $0x1ff;
	[tilespmem:$0x1FFA0] =	vst v1;
	v1 =	vimm.s32 $0x0  }
0x1b: {  	v1 =	vsel vm4, $0xFFFFFFFF, v1  }
0x1c: {  	s6 =	srdreg.scid;
	vm5 =	vmmov $0x3ff;
	[tilespmem:$0x1FFB0] =	vst v1;
	v1 =	vimm.s32 $0x0  }
0x1d: {  	s1 =	stileid.u32;
	s11 =	simm.s32 $0x2;
	s12 =	simm.s32 $0x10400;
	v1 =	vsel vm5, $0xFFFFFFFF, v1  }
0x1e: {  	vm6 =	vmmov $0x7ff;
	s13 =	simm.s32 $0x10800;
	s6 =	sand.u32 $0x1, s6;
	s7 =	sshll.u32 s1, $0x1;
	[tilespmem:$0x1FFC0] =	vst v1;
	v1 =	vimm.s32 $0x0  }
0x1f: {  	s14 =	simm.s32 $0x10880;
	s7 =	sor.u32 s6, s7;
	s6 =	ssub.s32 $0x2, s6;
	v1 =	vsel vm6, $0xFFFFFFFF, v1  }
0x20: {  	vm7 =	vmmov $0xfff;
	s15 =	simm.s32 $0x0;
	s8 =	sshll.u32 s7, $0x4;
	s9 =	sshrl.u32 s6, $0x1;
	[tilespmem:$0x1FFD0] =	vst v1;
	v1 =	vimm.s32 $0x0  }
0x21: {  	s10 =	sshll.u32 s7, $0xD;
	s31 =	sshll.u32 s7, $0x7;
	s8 =	sadd.s32 s8, s3;
	v1 =	vsel vm7, $0xFFFFFFFF, v1  }
0x22: {  	v45 =	vimm.f32 $0.0e+00;
	vm10 =	vmmov $0x3fff;
	s9 =	ssub.s32 s6, s9;
	s3 =	sadd.s32 s3, s10;
	s4 =	sadd.s32 s4, s31;
	[tilespmem:$0x1FFE0] =	vst v1;
	v1 =	vimm.s32 $0x0  }
0x23: {  	vm15 =	vmmov $0x1;
	vm12 =	vmmov $0xf;
	s5 =	sadd.s32 s5, s31;
	s10 =	simm.s32 $0x10000;
	s6 =	sadd.s32 $0x40000, s8;
	v1 =	vsel vm10, $0xFFFFFFFF, v1  }
0x24: {  	vm3 =	vmmov $0xff;
	vm9 =	vmmov $0x1fff;
	vm13 =	vmmov $0x7fff;
	s7 =	sadd.s32 $0x40200, s8;
	s8 =	smax.u32 s9, $0x1;
	s9 =	simm.s32 $0x1;
	[tilespmem:$0x1FFF0] =	vst v1  }
.LBB2_1:
0x25: {  	[tilespmem:s2], [sflag:$0x1] =	stream.linear.gather [hbm4b:s3+s2], $0x10000, $0x38;
	[tilespmem:$0x10900] =	vst v63  }
0x26: {  	_ =	swait.ge [sflag:s9], $0x10000  }
0x27: {  	s16 =	simm.s32 $0x400;
	[sflag:s9] =	ssyncset.done $0x0  }
0x28: {  	s17 =	simm.s32 $0x0;
	s18 =	simm.s32 $0x0;
	v27 =	vimm.f32 $0.0e+00;
	v4 =	vimm.f32 $0.0e+00;
	[sflag:s9] =	ssyncadd.s32 $0xFFFF0000  }
.LBB2_2:
0x29: {  	v2 =	vld [tilespmem:s16+$0xFFFFFC00];
	_ =	sdelay $0x4  }
0x2a: {  	(xrf0) =	vmax.scan.msk.f32 $0xffff, v2;
	_ =	sdelay $0x5  }
0x2b: {  	v3, _, _ =	vpop (xrf0)  }
0x2c: {  	v3 =	vbroadcast v3, $0xF;
	_ =	sdelay $0x1  }
0x2d: {  	vm0 =	veq.f32 v2, v3  }
0x2e: {  	v5 =	vnsel vm0, $0x41800000, v0  }
0x2f: {  	(xrf0) =	vmin.scan.msk.f32 $0xffff, v5;
	_ =	sdelay $0x5  }
0x30: {  	v5, _, _ =	vpop (xrf0)  }
0x31: {  	v1 =	vbroadcast v5, $0xF;
	_ =	sdelay $0x1  }
0x32: {  	vm1 =	veq.f32 v1, v0  }
0x33: {  	v5 =	vsel vm1, $0xFF800000, v2  }
0x34: {  	(xrf0) =	vmax.scan.msk.f32 $0xffff, v5;
	_ =	sdelay $0x5  }
0x35: {  	v6, _, _ =	vpop (xrf0)  }
0x36: {  	v8 =	vld [tilespmem:s16+$0xFFFFFC80];
	v6 =	vbroadcast v6, $0xF;
	_ =	sdelay $0x1  }
0x37: {  	vm0 =	veq.f32 v5, v6  }
0x38: {  	v5 =	vnsel vm0, $0x41800000, v0  }
0x39: {  	(xrf0) =	vmin.scan.msk.f32 $0xffff, v5  }
0x3a: {  	(xrf0) =	vmax.scan.msk.f32 $0xffff, v8;
	_ =	sdelay $0x4  }
0x3b: {  	v9, _, _ =	vpop (xrf0)  }
0x3c: {  	v5, _, _ =	vpop (xrf0)  }
0x3d: {  	v10 =	vbroadcast v5, $0xF;
	_ =	sdelay $0x1  }
0x3e: {  	vm0 =	veq.f32 v8, v10  }
0x3f: {  	v5 =	vnsel vm0, $0x41800000, v0  }
0x40: {  	(xrf0) =	vmin.scan.msk.f32 $0xffff, v5;
	_ =	sdelay $0x4  }
0x41: {  	[tilespmem:$0x1FD60] =	vst v1;
	v1 =	vimm.s32 $0x0  }
0x42: {  	v1 =	vsel vm1, $0xFFFFFFFF, v1;
	v5, _, _ =	vpop (xrf0)  }
0x43: {  	[tilespmem:$0x1FCA0] =	vst v1;
	v1 =	vbroadcast v5, $0xF;
	_ =	sdelay $0x1  }
0x44: {  	vm2 =	veq.f32 v1, v0  }
0x45: {  	v6 =	vsel vm2, $0xFF800000, v8  }
0x46: {  	(xrf0) =	vmax.scan.msk.f32 $0xffff, v6;
	_ =	sdelay $0x5  }
0x47: {  	v7, _, _ =	vpop (xrf0)  }
0x48: {  	v11 =	vld [tilespmem:s16+$0xFFFFFD00];
	v7 =	vbroadcast v7, $0xF;
	_ =	sdelay $0x1  }
0x49: {  	vm0 =	veq.f32 v6, v7  }
0x4a: {  	v6 =	vnsel vm0, $0x41800000, v0  }
0x4b: {  	(xrf0) =	vmin.scan.msk.f32 $0xffff, v6  }
0x4c: {  	(xrf0) =	vmax.scan.msk.f32 $0xffff, v11;
	_ =	sdelay $0x4  }
0x4d: {  	v13, _, _ =	vpop (xrf0)  }
0x4e: {  	v6, _, _ =	vpop (xrf0)  }
0x4f: {  	v14 =	vbroadcast v6, $0xF;
	_ =	sdelay $0x1  }
0x50: {  	vm0 =	veq.f32 v11, v14  }
0x51: {  	v6 =	vnsel vm0, $0x41800000, v0  }
0x52: {  	(xrf0) =	vmin.scan.msk.f32 $0xffff, v6;
	_ =	sdelay $0x4  }
0x53: {  	[tilespmem:$0x1FD70] =	vst v1;
	v1 =	vimm.s32 $0x0  }
0x54: {  	v1 =	vsel vm2, $0xFFFFFFFF, v1;
	v6, _, _ =	vpop (xrf0)  }
0x55: {  	[tilespmem:$0x1FCC0] =	vst v1;
	v1 =	vbroadcast v6, $0xF;
	_ =	sdelay $0x1  }
0x56: {  	vm4 =	veq.f32 v1, v0  }
0x57: {  	v7 =	vsel vm4, $0xFF800000, v11  }
0x58: {  	(xrf0) =	vmax.scan.msk.f32 $0xffff, v7;
	_ =	sdelay $0x2  }
0x59: {  	v2 =	vsub.f32 v2, v3;
	_ =	sdelay $0x1  }
0x5a: {  	v2 =	vmul.f32 $1.442695020e+00, v2  }
0x5b: {  	v12, _, _ =	vpop (xrf0)  }
0x5c: {  	v17 =	vld [tilespmem:s16+$0xFFFFFD80];
	(erf) = vpow2.f32 v2;
	v12 =	vbroadcast v12, $0xF;
	_ =	sdelay $0x1  }
0x5d: {  	vm0 =	veq.f32 v7, v12  }
0x5e: {  	v3 =	vnsel vm0, $0x41800000, v0  }
0x5f: {  	(xrf0) =	vmin.scan.msk.f32 $0xffff, v3  }
0x60: {  	(xrf0) =	vmax.scan.msk.f32 $0xffff, v17;
	_ =	sdelay $0x3  }
0x61: {  	v39 =	vpop (erf)  }
0x62: {  	(xrf2) =	vadd.scan.msk.f32 $0xffff, v39;
	v2, _, _ =	vpop (xrf0)  }
0x63: {  	v3, _, _ =	vpop (xrf0)  }
0x64: {  	v3 =	vbroadcast v3, $0xF;
	_ =	sdelay $0x1  }
0x65: {  	vm0 =	veq.f32 v17, v3  }
0x66: {  	v7 =	vnsel vm0, $0x41800000, v0  }
0x67: {  	(xrf0) =	vmin.scan.msk.f32 $0xffff, v7;
	_ =	sdelay $0x3  }
0x68: {  	v16, _, _ =	vpop (xrf2)  }
0x69: {  	v16 =	vbroadcast v16, $0xF;
	[tilespmem:$0x1FDB0] =	vst v1;
	v1 =	vimm.s32 $0x0  }
0x6a: {  	v1 =	vsel vm4, $0xFFFFFFFF, v1;
	v7, _, _ =	vpop (xrf0)  }
0x6b: {  	(erf) = vrcp.f32 v16;
	[tilespmem:$0x1FCE0] =	vst v1;
	v1 =	vbroadcast v7, $0xF;
	_ =	sdelay $0x1  }
0x6c: {  	vm5 =	veq.f32 v1, v0  }
0x6d: {  	v18 =	vsel vm5, $0xFF800000, v17  }
0x6e: {  	v8 =	vsub.f32 v8, v10;
	(xrf0) =	vmax.scan.msk.f32 $0xffff, v18;
	_ =	sdelay $0x1  }
0x6f: {  	v8 =	vmul.f32 $1.442695020e+00, v8;
	_ =	sdelay $0x1  }
0x70: {  	(erf) = vpow2.f32 v8  }
0x71: {  	v41 =	vpop (erf)  }
0x72: {  	v40, _, _ =	vpop (xrf0)  }
0x73: {  	v19 =	vld [tilespmem:s16+$0xFFFFFE00];
	v12 =	vmul.f32 v41, v39;
	[tilespmem:$0x1FDE0] =	vst v1;
	v1 =	vimm.s32 $0x0;
	v8 =	vbroadcast v40, $0xF  }
0x74: {  	v1 =	vsel vm5, $0xFFFFFFFF, v1  }
0x75: {  	[tilespmem:$0x1FD00] =	vst v1;
	v1 =	vbroadcast v9, $0xF;
	vm0 =	veq.f32 v18, v8;
	v8 =	vnsel vm1, $0x0, v12  }
0x76: {  	v42 =	vnsel vm0, $0x41800000, v0;
	(xrf2) =	vadd.scan.msk.f32 $0xffff, v8  }
0x77: {  	vm0 =	veq.f32 v1, v0;
	(xrf0) =	vmin.scan.msk.f32 $0xffff, v42  }
0x78: {  	v43 =	vnsel vm0, $0x0, v12;
	(xrf0) =	vmax.scan.msk.f32 $0xffff, v19  }
0x79: {  	v44 =	vpop (erf);
	(xrf2) =	vadd.scan.msk.f32 $0xffff, v43  }
0x7a: {  	(xrf2) =	vadd.scan.msk.f32 $0xffff, v44;
	_ =	sdelay $0x3  }
0x7b: {  	v20, _, _ =	vpop (xrf0)  }
0x7c: {  	v46, _, _ =	vpop (xrf0)  }
0x7d: {  	v22 =	vbroadcast v46, $0xF  }
0x7e: {  	[tilespmem:$0x1FD90] =	vst v1;
	v1 =	vimm.s32 $0x0  }
0x7f: {  	v1 =	vsel vm0, $0xFFFFFFFF, v1;
	v40, _, _ =	vpop (xrf2);
	vm0 =	veq.f32 v19, v22  }
0x80: {  	v47 =	vnsel vm0, $0x41800000, v0;
	v32, _, _ =	vpop (xrf2)  }
0x81: {  	(xrf0) =	vmin.scan.msk.f32 $0xffff, v47;
	v48, _, _ =	vpop (xrf2)  }
0x82: {  	v8 =	vbroadcast v48, $0xF;
	_ =	sdelay $0x1  }
0x83: {  	(erf) = vrcp.f32 v8;
	_ =	sdelay $0x1  }
0x84: {  	v11 =	vsub.f32 v11, v14  }
0x85: {  	v49, _, _ =	vpop (xrf0)  }
0x86: {  	v11 =	vmul.f32 $1.442695020e+00, v11;
	[tilespmem:$0x1FCB0] =	vst v1;
	v1 =	vbroadcast v49, $0xF;
	_ =	sdelay $0x1  }
0x87: {  	(erf) = vpow2.f32 v11;
	vm1 =	veq.f32 v1, v0  }
0x88: {  	v50 =	vsel vm1, $0xFF800000, v19  }
0x89: {  	(xrf0) =	vmax.scan.msk.f32 $0xffff, v50  }
0x8a: {  	v51 =	vpop (erf)  }
0x8b: {  	v7 =	vbroadcast v13, $0xF;
	v16 =	vmul.f32 v51, v44;
	_ =	sdelay $0x1  }
0x8c: {  	vm0 =	veq.f32 v7, v0;
	v11 =	vnsel vm2, $0x0, v16  }
0x8d: {  	v53 =	vnsel vm0, $0x0, v16;
	(xrf2) =	vadd.scan.msk.f32 $0xffff, v11  }
0x8e: {  	[tilespmem:$0x1FE20] =	vst v1;
	v1 =	vimm.s32 $0x0;
	v52, _, _ =	vpop (xrf0);
	(xrf2) =	vadd.scan.msk.f32 $0xffff, v53  }
0x8f: {  	v1 =	vsel vm1, $0xFFFFFFFF, v1;
	v54 =	vpop (erf);
	v9 =	vbroadcast v52, $0xF  }
0x90: {  	v24 =	vld [tilespmem:s16+$0xFFFFFE80];
	[tilespmem:$0x1FD20] =	vst v1;
	v1 =	vimm.s32 $0x0;
	(xrf2) =	vadd.scan.msk.f32 $0xffff, v54  }
0x91: {  	v1 =	vsel vm0, $0xFFFFFFFF, v1;
	vm0 =	veq.f32 v50, v9  }
0x92: {  	v9 =	vnsel vm0, $0x41800000, v0  }
0x93: {  	(xrf0) =	vmin.scan.msk.f32 $0xffff, v9;
	_ =	sdelay $0x1  }
0x94: {  	(xrf0) =	vmax.scan.msk.f32 $0xffff, v24;
	_ =	sdelay $0x1  }
0x95: {  	v63, _, _ =	vpop (xrf2)  }
0x96: {  	v41, _, _ =	vpop (xrf2)  }
0x97: {  	v55, _, _ =	vpop (xrf0)  }
0x98: {  	v57, _, _ =	vpop (xrf2)  }
0x99: {  	v56, _, _ =	vpop (xrf0)  }
0x9a: {  	v9 =	vbroadcast v57, $0xF;
	v25 =	vbroadcast v56, $0xF;
	_ =	sdelay $0x1  }
0x9b: {  	(erf) = vrcp.f32 v9;
	vm0 =	veq.f32 v24, v25  }
0x9c: {  	v58 =	vnsel vm0, $0x41800000, v0  }
0x9d: {  	v3 =	vsub.f32 v17, v3;
	(xrf0) =	vmin.scan.msk.f32 $0xffff, v58;
	_ =	sdelay $0x1  }
0x9e: {  	v3 =	vmul.f32 $1.442695020e+00, v3;
	_ =	sdelay $0x2  }
0x9f: {  	(erf) = vpow2.f32 v3  }
0xa0: {  	v3, _, _ =	vpop (xrf0)  }
0xa1: {  	[tilespmem:$0x1FCD0] =	vst v1;
	v1 =	vbroadcast v3, $0xF;
	v3 =	vpop (erf)  }
0xa2: {  	v6 =	vbroadcast v2, $0xF;
	v21 =	vmul.f32 v3, v54;
	_ =	sdelay $0x1  }
0xa3: {  	vm0 =	veq.f32 v6, v0;
	vm2 =	veq.f32 v1, v0;
	v2 =	vnsel vm4, $0x0, v21  }
0xa4: {  	v59 =	vsel vm2, $0xFF800000, v24;
	(xrf2) =	vadd.scan.msk.f32 $0xffff, v2;
	v2 =	vnsel vm0, $0x0, v21  }
0xa5: {  	(xrf0) =	vmax.scan.msk.f32 $0xffff, v59;
	_ =	sdelay $0x1  }
0xa6: {  	(xrf2) =	vadd.scan.msk.f32 $0xffff, v2;
	v2 =	vpop (erf)  }
0xa7: {  	(xrf2) =	vadd.scan.msk.f32 $0xffff, v2;
	_ =	sdelay $0x1  }
0xa8: {  	[tilespmem:$0x1FEB0] =	vst v1;
	v1 =	vimm.s32 $0x0  }
0xa9: {  	v1 =	vsel vm2, $0xFFFFFFFF, v1;
	v3, _, _ =	vpop (xrf0)  }
0xaa: {  	v28 =	vld [tilespmem:s16+$0xFFFFFF00];
	[tilespmem:$0x1FD40] =	vst v1;
	v1 =	vimm.s32 $0x0;
	v3 =	vbroadcast v3, $0xF  }
0xab: {  	v1 =	vsel vm0, $0xFFFFFFFF, v1  }
0xac: {  	vm0 =	veq.f32 v59, v3  }
0xad: {  	v3 =	vnsel vm0, $0x41800000, v0  }
0xae: {  	[tilespmem:$0x1FCF0] =	vst v1;
	v1, _, _ =	vpop (xrf2);
	(xrf0) =	vmin.scan.msk.f32 $0xffff, v3  }
0xaf: {  	[tilespmem:$0x1FD80] =	vst v1;
	v1, _, _ =	vpop (xrf2);
	(xrf0) =	vmax.scan.msk.f32 $0xffff, v28  }
0xb0: {  	v3, _, _ =	vpop (xrf2)  }
0xb1: {  	v3 =	vbroadcast v3, $0xF;
	_ =	sdelay $0x2  }
0xb2: {  	v29, _, _ =	vpop (xrf0)  }
0xb3: {  	(erf) = vrcp.f32 v3;
	v3, _, _ =	vpop (xrf0)  }
0xb4: {  	v3 =	vbroadcast v3, $0xF  }
0xb5: {  	v60 =	vsub.f32 v19, v22  }
0xb6: {  	vm0 =	veq.f32 v28, v3  }
0xb7: {  	v11 =	vmul.f32 $1.442695020e+00, v60;
	v61 =	vnsel vm0, $0x41800000, v0  }
0xb8: {  	(xrf0) =	vmin.scan.msk.f32 $0xffff, v61  }
0xb9: {  	(erf) = vpow2.f32 v11;
	_ =	sdelay $0x1  }
0xba: {  	v5 =	vbroadcast v20, $0xF  }
0xbb: {  	v62 =	vpop (erf)  }
0xbc: {  	[tilespmem:$0x1FDA0] =	vst v1;
	v1 =	vimm.s32 $0x0;
	vm0 =	veq.f32 v5, v0;
	v26 =	vmul.f32 v62, v2  }
0xbd: {  	v1 =	vsel vm0, $0xFFFFFFFF, v1;
	v2, _, _ =	vpop (xrf0)  }
0xbe: {  	[tilespmem:$0x1FD10] =	vst v1;
	v8 =	vnsel vm5, $0x0, v26;
	v1 =	vbroadcast v2, $0xF;
	v2 =	vnsel vm0, $0x0, v26  }
0xbf: {  	(xrf2) =	vadd.scan.msk.f32 $0xffff, v8;
	_ =	sdelay $0x1  }
0xc0: {  	(xrf2) =	vadd.scan.msk.f32 $0xffff, v2;
	v2 =	vpop (erf)  }
0xc1: {  	vm10 =	veq.f32 v1, v0;
	(xrf2) =	vadd.scan.msk.f32 $0xffff, v2  }
0xc2: {  	v9 =	vsel vm10, $0xFF800000, v28  }
0xc3: {  	(xrf0) =	vmax.scan.msk.f32 $0xffff, v9;
	_ =	sdelay $0x4  }
0xc4: {  	[tilespmem:$0x1FEE0] =	vst v1;
	v1, _, _ =	vpop (xrf2)  }
0xc5: {  	v10, _, _ =	vpop (xrf0)  }
0xc6: {  	v11 =	vld [tilespmem:s16+$0xFFFFFF80];
	[tilespmem:$0x1FDC0] =	vst v1;
	v19 =	vbroadcast v10, $0xF;
	v1, _, _ =	vpop (xrf2)  }
0xc7: {  	v34, _, _ =	vpop (xrf2)  }
0xc8: {  	vm0 =	veq.f32 v9, v19;
	v17 =	vbroadcast v34, $0xF  }
0xc9: {  	v19 =	vnsel vm0, $0x41800000, v0  }
0xca: {  	(xrf0) =	vmin.scan.msk.f32 $0xffff, v19;
	(erf) = vrcp.f32 v17  }
0xcb: {  	(xrf0) =	vmax.scan.msk.f32 $0xffff, v11;
	_ =	sdelay $0x1  }
0xcc: {  	v35 =	vsub.f32 v24, v25;
	_ =	sdelay $0x1  }
0xcd: {  	v17 =	vmul.f32 $1.442695020e+00, v35  }
0xce: {  	v19, _, _ =	vpop (xrf0)  }
0xcf: {  	(erf) = vpow2.f32 v17;
	v36, _, _ =	vpop (xrf0)  }
0xd0: {  	v24 =	vbroadcast v36, $0xF  }
0xd1: {  	v37 =	vpop (erf)  }
0xd2: {  	v18 =	vbroadcast v55, $0xF;
	vm0 =	veq.f32 v11, v24;
	v34 =	vmul.f32 v37, v2  }
0xd3: {  	v38 =	vnsel vm0, $0x41800000, v0  }
0xd4: {  	vm0 =	veq.f32 v18, v0;
	(xrf0) =	vmin.scan.msk.f32 $0xffff, v38;
	v2 =	vnsel vm1, $0x0, v34  }
0xd5: {  	(xrf2) =	vadd.scan.msk.f32 $0xffff, v2;
	v2 =	vnsel vm0, $0x0, v34;
	_ =	sdelay $0x2  }
0xd6: {  	(xrf2) =	vadd.scan.msk.f32 $0xffff, v2;
	v2 =	vpop (erf)  }
0xd7: {  	[tilespmem:$0x1FDD0] =	vst v1;
	v1 =	vimm.s32 $0x0;
	(xrf2) =	vadd.scan.msk.f32 $0xffff, v2  }
0xd8: {  	v1 =	vsel vm0, $0xFFFFFFFF, v1;
	v39, _, _ =	vpop (xrf0)  }
0xd9: {  	[tilespmem:$0x1FD30] =	vst v1;
	v1 =	vbroadcast v39, $0xF;
	_ =	sdelay $0x1  }
0xda: {  	vm14 =	veq.f32 v1, v0  }
0xdb: {  	v42 =	vsel vm14, $0xFF800000, v11  }
0xdc: {  	(xrf0) =	vmax.scan.msk.f32 $0xffff, v42;
	_ =	sdelay $0x1  }
0xdd: {  	[tilespmem:$0x1FF20] =	vst v1;
	v1, _, _ =	vpop (xrf2)  }
0xde: {  	[tilespmem:$0x1FDF0] =	vst v1;
	v1, _, _ =	vpop (xrf2)  }
0xdf: {  	v43, _, _ =	vpop (xrf2)  }
0xe0: {  	v22 =	vbroadcast v43, $0xF  }
0xe1: {  	v25, _, _ =	vpop (xrf0)  }
0xe2: {  	v44 =	vbroadcast v25, $0xF;
	v25 =	vld [tilespmem:s16+$0x0];
	(erf) = vrcp.f32 v22  }
0xe3: {  	v3 =	vsub.f32 v28, v3  }
0xe4: {  	vm0 =	veq.f32 v42, v44  }
0xe5: {  	v3 =	vmul.f32 $1.442695020e+00, v3;
	v14 =	vnsel vm0, $0x41800000, v0  }
0xe6: {  	(xrf0) =	vmin.scan.msk.f32 $0xffff, v14  }
0xe7: {  	(erf) = vpow2.f32 v3;
	(xrf0) =	vmax.scan.msk.f32 $0xffff, v25;
	_ =	sdelay $0x3  }
0xe8: {  	v3 =	vpop (erf)  }
0xe9: {  	v28 =	vbroadcast v29, $0xF;
	v33 =	vmul.f32 v3, v2;
	v2, _, _ =	vpop (xrf0)  }
0xea: {  	v3, _, _ =	vpop (xrf0)  }
0xeb: {  	vm0 =	veq.f32 v28, v0;
	v46 =	vnsel vm2, $0x0, v33;
	v3 =	vbroadcast v3, $0xF  }
0xec: {  	[tilespmem:$0x1FE10] =	vst v1;
	v1 =	vimm.s32 $0x0;
	v47 =	vnsel vm0, $0x0, v33;
	(xrf2) =	vadd.scan.msk.f32 $0xffff, v46  }
0xed: {  	v1 =	vsel vm0, $0xFFFFFFFF, v1;
	v48 =	vpop (erf);
	(xrf2) =	vadd.scan.msk.f32 $0xffff, v47;
	vm0 =	veq.f32 v25, v3  }
0xee: {  	(xrf2) =	vadd.scan.msk.f32 $0xffff, v48;
	v49 =	vnsel vm0, $0x41800000, v0  }
0xef: {  	(xrf0) =	vmin.scan.msk.f32 $0xffff, v49;
	_ =	sdelay $0x5  }
0xf0: {  	v22, _, _ =	vpop (xrf0)  }
0xf1: {  	[tilespmem:$0x1FD50] =	vst v1;
	v1, _, _ =	vpop (xrf2)  }
0xf2: {  	v22 =	vbroadcast v22, $0xF;
	[tilespmem:$0x1FE80] =	vst v1;
	v1, _, _ =	vpop (xrf2)  }
0xf3: {  	v29, _, _ =	vpop (xrf2)  }
0xf4: {  	vm1 =	veq.f32 v22, v0;
	v29 =	vbroadcast v29, $0xF  }
0xf5: {  	v30 =	vsel vm1, $0xFF800000, v25  }
0xf6: {  	(xrf0) =	vmax.scan.msk.f32 $0xffff, v30;
	(erf) = vrcp.f32 v29  }
0xf7: {  	v20 =	vsub.f32 v11, v24;
	_ =	sdelay $0x1  }
0xf8: {  	v20 =	vmul.f32 $1.442695020e+00, v20;
	_ =	sdelay $0x1  }
0xf9: {  	(erf) = vpow2.f32 v20  }
0xfa: {  	v50, _, _ =	vpop (xrf0)  }
0xfb: {  	v24 =	vld [tilespmem:s16+$0x80];
	v20 =	vbroadcast v50, $0xF;
	_ =	sdelay $0x1  }
0xfc: {  	vm0 =	veq.f32 v30, v20;
	v51 =	vpop (erf)  }
0xfd: {  	v30 =	vbroadcast v19, $0xF;
	v29 =	vnsel vm0, $0x41800000, v0;
	v39 =	vmul.f32 v51, v48  }
0xfe: {  	(xrf0) =	vmin.scan.msk.f32 $0xffff, v29  }
0xff: {  	vm0 =	veq.f32 v30, v0;
	(xrf0) =	vmax.scan.msk.f32 $0xffff, v24;
	v14 =	vnsel vm10, $0x0, v39  }
0x100: {  	v52 =	vnsel vm0, $0x0, v39;
	(xrf2) =	vadd.scan.msk.f32 $0xffff, v14  }
0x101: {  	v53 =	vpop (erf);
	(xrf2) =	vadd.scan.msk.f32 $0xffff, v52  }
0x102: {  	(xrf2) =	vadd.scan.msk.f32 $0xffff, v53;
	_ =	sdelay $0x1  }
0x103: {  	[tilespmem:$0x1FE90] =	vst v1;
	v1 =	vimm.s32 $0x0;
	v54, _, _ =	vpop (xrf0)  }
0x104: {  	v1 =	vsel vm1, $0xFFFFFFFF, v1;
	v55, _, _ =	vpop (xrf0)  }
0x105: {  	[tilespmem:$0x1FE40] =	vst v1;
	v1 =	vimm.s32 $0x0;
	v20 =	vbroadcast v55, $0xF  }
0x106: {  	v1 =	vsel vm0, $0xFFFFFFFF, v1  }
0x107: {  	vm0 =	veq.f32 v24, v20  }
0x108: {  	v29 =	vnsel vm0, $0x41800000, v0  }
0x109: {  	[tilespmem:$0x1FE00] =	vst v1;
	v1, _, _ =	vpop (xrf2)  }
0x10a: {  	(xrf0) =	vmin.scan.msk.f32 $0xffff, v29;
	[tilespmem:$0x1FEC0] =	vst v1;
	v1, _, _ =	vpop (xrf2)  }
0x10b: {  	v29, _, _ =	vpop (xrf2)  }
0x10c: {  	v29 =	vbroadcast v29, $0xF;
	_ =	sdelay $0x1  }
0x10d: {  	(erf) = vrcp.f32 v29;
	_ =	sdelay $0x1  }
0x10e: {  	v29, _, _ =	vpop (xrf0)  }
0x10f: {  	v3 =	vsub.f32 v25, v3;
	v11 =	vbroadcast v29, $0xF;
	_ =	sdelay $0x1  }
0x110: {  	v3 =	vmul.f32 $1.442695020e+00, v3;
	vm2 =	veq.f32 v11, v0  }
0x111: {  	v25 =	vsel vm2, $0xFF800000, v24  }
0x112: {  	(erf) = vpow2.f32 v3;
	(xrf0) =	vmax.scan.msk.f32 $0xffff, v25;
	_ =	sdelay $0x1  }
0x113: {  	v3 =	vpop (erf)  }
0x114: {  	v10 =	vbroadcast v2, $0xF;
	v42 =	vmul.f32 v3, v53;
	_ =	sdelay $0x1  }
0x115: {  	vm0 =	veq.f32 v10, v0;
	v3 =	vnsel vm14, $0x0, v42  }
0x116: {  	[tilespmem:$0x1FED0] =	vst v1;
	v1 =	vimm.s32 $0x0;
	v2, _, _ =	vpop (xrf0);
	(xrf2) =	vadd.scan.msk.f32 $0xffff, v3;
	v3 =	vnsel vm0, $0x0, v42  }
0x117: {  	v56 =	vld [tilespmem:s16+$0x100];
	v1 =	vsel vm2, $0xFFFFFFFF, v1;
	v2 =	vbroadcast v2, $0xF  }
0x118: {  	[tilespmem:$0x1FE60] =	vst v1;
	v1 =	vimm.s32 $0x0  }
0x119: {  	v1 =	vsel vm0, $0xFFFFFFFF, v1;
	(xrf2) =	vadd.scan.msk.f32 $0xffff, v3;
	v3 =	vpop (erf);
	vm0 =	veq.f32 v25, v2  }
0x11a: {  	v2 =	vnsel vm0, $0x41800000, v0;
	(xrf2) =	vadd.scan.msk.f32 $0xffff, v3  }
0x11b: {  	(xrf0) =	vmin.scan.msk.f32 $0xffff, v2  }
0x11c: {  	(xrf0) =	vmax.scan.msk.f32 $0xffff, v56;
	_ =	sdelay $0x3  }
0x11d: {  	[tilespmem:$0x1FE30] =	vst v1;
	v1, _, _ =	vpop (xrf2)  }
0x11e: {  	v2, _, _ =	vpop (xrf0)  }
0x11f: {  	v25, _, _ =	vpop (xrf0)  }
0x120: {  	[tilespmem:$0x1FEF0] =	vst v1;
	v1, _, _ =	vpop (xrf2);
	v25 =	vbroadcast v25, $0xF  }
0x121: {  	v29, _, _ =	vpop (xrf2)  }
0x122: {  	vm0 =	veq.f32 v56, v25;
	v29 =	vbroadcast v29, $0xF  }
0x123: {  	v31 =	vnsel vm0, $0x41800000, v0  }
0x124: {  	(xrf0) =	vmin.scan.msk.f32 $0xffff, v31;
	(erf) = vrcp.f32 v29;
	_ =	sdelay $0x2  }
0x125: {  	v20 =	vsub.f32 v24, v20;
	_ =	sdelay $0x1  }
0x126: {  	v20 =	vmul.f32 $1.442695020e+00, v20  }
0x127: {  	v57, _, _ =	vpop (xrf0)  }
0x128: {  	(erf) = vpow2.f32 v20;
	v9 =	vbroadcast v57, $0xF;
	_ =	sdelay $0x1  }
0x129: {  	vm8 =	veq.f32 v9, v0;
	v58 =	vpop (erf)  }
0x12a: {  	v8 =	vbroadcast v54, $0xF;
	v24 =	vsel vm8, $0xFF800000, v56;
	v49 =	vmul.f32 v58, v3  }
0x12b: {  	(xrf0) =	vmax.scan.msk.f32 $0xffff, v24  }
0x12c: {  	vm0 =	veq.f32 v8, v0;
	v3 =	vnsel vm1, $0x0, v49  }
0x12d: {  	(xrf2) =	vadd.scan.msk.f32 $0xffff, v3;
	v3 =	vnsel vm0, $0x0, v49;
	_ =	sdelay $0x2  }
0x12e: {  	(xrf2) =	vadd.scan.msk.f32 $0xffff, v3;
	v3 =	vpop (erf)  }
0x12f: {  	(xrf2) =	vadd.scan.msk.f32 $0xffff, v3;
	v59, _, _ =	vpop (xrf0)  }
0x130: {  	v60 =	vld [tilespmem:s16+$0x180];
	v19 =	vbroadcast v59, $0xF  }
0x131: {  	[tilespmem:$0x1FF00] =	vst v1;
	v1 =	vimm.s32 $0x0  }
0x132: {  	v1 =	vsel vm0, $0xFFFFFFFF, v1;
	vm0 =	veq.f32 v24, v19  }
0x133: {  	v19 =	vnsel vm0, $0x41800000, v0  }
0x134: {  	(xrf0) =	vmin.scan.msk.f32 $0xffff, v19  }
0x135: {  	(xrf0) =	vmax.scan.msk.f32 $0xffff, v60;
	_ =	sdelay $0x1  }
0x136: {  	[tilespmem:$0x1FE50] =	vst v1;
	v1, _, _ =	vpop (xrf2)  }
0x137: {  	[tilespmem:$0x1FF10] =	vst v1;
	v1, _, _ =	vpop (xrf2)  }
0x138: {  	v61, _, _ =	vpop (xrf2)  }
0x139: {  	v19 =	vbroadcast v61, $0xF;
	v24, _, _ =	vpop (xrf0)  }
0x13a: {  	v62, _, _ =	vpop (xrf0)  }
0x13b: {  	(erf) = vrcp.f32 v19;
	v19 =	vbroadcast v62, $0xF;
	_ =	sdelay $0x1  }
0x13c: {  	v14 =	vsub.f32 v56, v25;
	vm0 =	veq.f32 v60, v19  }
0x13d: {  	v25 =	vnsel vm0, $0x41800000, v0  }
0x13e: {  	v14 =	vmul.f32 $1.442695020e+00, v14;
	(xrf0) =	vmin.scan.msk.f32 $0xffff, v25;
	_ =	sdelay $0x1  }
0x13f: {  	(erf) = vpow2.f32 v14;
	_ =	sdelay $0x2  }
0x140: {  	v50 =	vbroadcast v2, $0xF;
	v23 =	vpop (erf)  }
0x141: {  	v53 =	vmul.f32 v23, v3;
	v2, _, _ =	vpop (xrf0)  }
0x142: {  	vm0 =	veq.f32 v50, v0;
	v47 =	vbroadcast v2, $0xF  }
0x143: {  	v3 =	vnsel vm2, $0x0, v53;
	v2 =	vnsel vm0, $0x0, v53  }
0x144: {  	(xrf2) =	vadd.scan.msk.f32 $0xffff, v3;
	vm6 =	veq.f32 v47, v0  }
0x145: {  	(xrf2) =	vadd.scan.msk.f32 $0xffff, v2;
	v3 =	vsel vm6, $0xFF800000, v60  }
0x146: {  	v2 =	vpop (erf);
	(xrf0) =	vmax.scan.msk.f32 $0xffff, v3  }
0x147: {  	(xrf2) =	vadd.scan.msk.f32 $0xffff, v2;
	_ =	sdelay $0x3  }
0x148: {  	[tilespmem:$0x1FF30] =	vst v1;
	v1 =	vimm.s32 $0x0  }
0x149: {  	v1 =	vsel vm0, $0xFFFFFFFF, v1;
	v31, _, _ =	vpop (xrf0)  }
0x14a: {  	v25 =	vld [tilespmem:s16+$0x200];
	v14 =	vbroadcast v31, $0xF;
	_ =	sdelay $0x1  }
0x14b: {  	[tilespmem:$0x1FE70] =	vst v1;
	v1, _, _ =	vpop (xrf2);
	vm0 =	veq.f32 v3, v14  }
0x14c: {  	[tilespmem:$0x1FF40] =	vst v1;
	v1, _, _ =	vpop (xrf2);
	v3 =	vnsel vm0, $0x41800000, v0  }
0x14d: {  	v35, _, _ =	vpop (xrf2);
	(xrf0) =	vmin.scan.msk.f32 $0xffff, v3  }
0x14e: {  	v3 =	vsub.f32 v60, v19;
	v14 =	vbroadcast v35, $0xF;
	(xrf0) =	vmax.scan.msk.f32 $0xffff, v25;
	_ =	sdelay $0x1  }
0x14f: {  	v3 =	vmul.f32 $1.442695020e+00, v3;
	(erf) = vrcp.f32 v14;
	_ =	sdelay $0x2  }
0x150: {  	v36, _, _ =	vpop (xrf0)  }
0x151: {  	(erf) = vpow2.f32 v3;
	v3, _, _ =	vpop (xrf0)  }
0x152: {  	v3 =	vbroadcast v3, $0xF;
	_ =	sdelay $0x1  }
0x153: {  	vm0 =	veq.f32 v25, v3  }
0x154: {  	v37 =	vnsel vm0, $0x41800000, v0  }
0x155: {  	v38 =	vpop (erf);
	(xrf0) =	vmin.scan.msk.f32 $0xffff, v37  }
0x156: {  	v55 =	vbroadcast v24, $0xF;
	v58 =	vmul.f32 v38, v2;
	_ =	sdelay $0x1  }
0x157: {  	vm0 =	veq.f32 v55, v0;
	v2 =	vnsel vm8, $0x0, v58  }
0x158: {  	(xrf2) =	vadd.scan.msk.f32 $0xffff, v2;
	v2 =	vnsel vm0, $0x0, v58;
	_ =	sdelay $0x1  }
0x159: {  	(xrf2) =	vadd.scan.msk.f32 $0xffff, v2;
	v19, _, _ =	vpop (xrf0)  }
0x15a: {  	v2 =	vpop (erf);
	v54 =	vbroadcast v19, $0xF  }
0x15b: {  	(xrf2) =	vadd.scan.msk.f32 $0xffff, v2  }
0x15c: {  	vm4 =	veq.f32 v54, v0  }
0x15d: {  	v43 =	vsel vm4, $0xFF800000, v25  }
0x15e: {  	(xrf0) =	vmax.scan.msk.f32 $0xffff, v43;
	_ =	sdelay $0x3  }
0x15f: {  	v13, _, _ =	vpop (xrf2)  }
0x160: {  	v17, _, _ =	vpop (xrf2)  }
0x161: {  	v24, _, _ =	vpop (xrf0)  }
0x162: {  	v44, _, _ =	vpop (xrf2)  }
0x163: {  	v46 =	vbroadcast v24, $0xF;
	v20 =	vbroadcast v44, $0xF  }
0x164: {  	[tilespmem:$0x1FF50] =	vst v1;
	v1 =	vimm.s32 $0x0;
	v24 =	vld [tilespmem:s16+$0x280]  }
0x165: {  	v1 =	vsel vm0, $0xFFFFFFFF, v1;
	vm0 =	veq.f32 v43, v46;
	(erf) = vrcp.f32 v20  }
0x166: {  	v19 =	vnsel vm0, $0x41800000, v0  }
0x167: {  	(xrf0) =	vmin.scan.msk.f32 $0xffff, v19  }
0x168: {  	v3 =	vsub.f32 v25, v3  }
0x169: {  	(xrf0) =	vmax.scan.msk.f32 $0xffff, v24  }
0x16a: {  	v3 =	vmul.f32 $1.442695020e+00, v3;
	_ =	sdelay $0x1  }
0x16b: {  	(erf) = vpow2.f32 v3  }
0x16c: {  	v48, _, _ =	vpop (xrf0)  }
0x16d: {  	v3 =	vpop (erf)  }
0x16e: {  	v62 =	vmul.f32 v3, v2;
	v2, _, _ =	vpop (xrf0)  }
0x16f: {  	v2 =	vbroadcast v2, $0xF  }
0x170: {  	v59 =	vbroadcast v36, $0xF  }
0x171: {  	v3 =	vnsel vm6, $0x0, v62;
	vm0 =	veq.f32 v24, v2  }
0x172: {  	vm7 =	veq.f32 v59, v0;
	(xrf2) =	vadd.scan.msk.f32 $0xffff, v3;
	v51 =	vnsel vm0, $0x41800000, v0  }
0x173: {  	v3 =	vnsel vm7, $0x0, v62;
	(xrf0) =	vmin.scan.msk.f32 $0xffff, v51  }
0x174: {  	v52 =	vpop (erf);
	(xrf2) =	vadd.scan.msk.f32 $0xffff, v3  }
0x175: {  	(xrf2) =	vadd.scan.msk.f32 $0xffff, v52;
	_ =	sdelay $0x3  }
0x176: {  	v3, _, _ =	vpop (xrf0)  }
0x177: {  	v60 =	vbroadcast v3, $0xF;
	_ =	sdelay $0x1  }
0x178: {  	vm2 =	veq.f32 v60, v0  }
0x179: {  	v3, _, _ =	vpop (xrf2);
	v29 =	vsel vm2, $0xFF800000, v24  }
0x17a: {  	v14, _, _ =	vpop (xrf2);
	(xrf0) =	vmax.scan.msk.f32 $0xffff, v29  }
0x17b: {  	v25, _, _ =	vpop (xrf2)  }
0x17c: {  	v25 =	vbroadcast v25, $0xF  }
0x17d: {  	v2 =	vsub.f32 v24, v2  }
0x17e: {  	(erf) = vrcp.f32 v25  }
0x17f: {  	v2 =	vmul.f32 $1.442695020e+00, v2  }
0x180: {  	v24, _, _ =	vpop (xrf0)  }
0x181: {  	(erf) = vpow2.f32 v2;
	v2 =	vbroadcast v24, $0xF;
	_ =	sdelay $0x1  }
0x182: {  	v24 =	vld [tilespmem:s16+$0x300];
	vm0 =	veq.f32 v29, v2  }
0x183: {  	v2 =	vnsel vm0, $0x41800000, v0;
	_ =	sdelay $0x2  }
0x184: {  	(xrf0) =	vmin.scan.msk.f32 $0xffff, v2;
	v2 =	vpop (erf)  }
0x185: {  	(xrf0) =	vmax.scan.msk.f32 $0xffff, v24;
	v19 =	vmul.f32 v2, v52;
	v2 =	vbroadcast v48, $0xF;
	_ =	sdelay $0x1  }
0x186: {  	v56 =	vnsel vm4, $0x0, v19;
	vm5 =	veq.f32 v2, v0  }
0x187: {  	(xrf2) =	vadd.scan.msk.f32 $0xffff, v56;
	v57 =	vnsel vm5, $0x0, v19  }
0x188: {  	v61 =	vpop (erf);
	(xrf2) =	vadd.scan.msk.f32 $0xffff, v57  }
0x189: {  	v15, _, _ =	vpop (xrf0);
	(xrf2) =	vadd.scan.msk.f32 $0xffff, v61  }
0x18a: {  	v43, _, _ =	vpop (xrf0)  }
0x18b: {  	v35 =	vbroadcast v43, $0xF;
	_ =	sdelay $0x1  }
0x18c: {  	vm0 =	veq.f32 v24, v35  }
0x18d: {  	v44 =	vnsel vm0, $0x41800000, v0  }
0x18e: {  	(xrf0) =	vmin.scan.msk.f32 $0xffff, v44;
	_ =	sdelay $0x1  }
0x18f: {  	v25, _, _ =	vpop (xrf2)  }
0x190: {  	v29, _, _ =	vpop (xrf2)  }
0x191: {  	v46, _, _ =	vpop (xrf2)  }
0x192: {  	v20 =	vbroadcast v46, $0xF  }
0x193: {  	v36, _, _ =	vpop (xrf0)  }
0x194: {  	(erf) = vrcp.f32 v20;
	v20 =	vbroadcast v36, $0xF;
	_ =	sdelay $0x1  }
0x195: {  	vm1 =	veq.f32 v20, v0  }
0x196: {  	v35 =	vsub.f32 v24, v35;
	v48 =	vsel vm1, $0xFF800000, v24  }
0x197: {  	(xrf0) =	vmax.scan.msk.f32 $0xffff, v48  }
0x198: {  	v24 =	vmul.f32 $1.442695020e+00, v35;
	_ =	sdelay $0x3  }
0x199: {  	[tilespmem:$0x1FEA0] =	vst v1;
	v1 =	vld [tilespmem:$0x1FCA0];
	(erf) = vpow2.f32 v24;
	v24 =	vpop (erf)  }
0x19a: {  	v31 =	vmul.f32 v24, v61;
	v51, _, _ =	vpop (xrf0)  }
0x19b: {  	v24 =	vbroadcast v15, $0xF;
	v15 =	vbroadcast v51, $0xF;
	_ =	sdelay $0x1  }
0x19c: {  	vm0 =	vmmov vm15;
	vm15 =	veq.f32 v48, v15  }
0x19d: {  	v15 =	vnsel vm15, $0x41800000, v0;
	vm15 =	vmmov vm0;
	vm0 =	vnez.u8 v1;
	v1 =	vld [tilespmem:$0x1FCB0];
	_ =	sdelay $0x4  }
0x19e: {  	v57 =	vsel vm0, $0x3F800000, v45;
	vm0 =	vnez.u8 v1;
	v1 =	vld [tilespmem:$0x1FCC0];
	_ =	sdelay $0x4  }
0x19f: {  	v61 =	vsel vm0, $0x3F800000, v45;
	vm0 =	vnez.u8 v1;
	v1 =	vld [tilespmem:$0x1FCD0];
	_ =	sdelay $0x4  }
0x1a0: {  	v23 =	vsel vm0, $0x3F800000, v45;
	vm0 =	vnez.u8 v1;
	v1 =	vld [tilespmem:$0x1FCE0];
	_ =	sdelay $0x4  }
0x1a1: {  	v38 =	vsel vm0, $0x3F800000, v45;
	vm0 =	vnez.u8 v1;
	v1 =	vld [tilespmem:$0x1FCF0];
	_ =	sdelay $0x4  }
0x1a2: {  	v43 =	vsel vm0, $0x3F800000, v45;
	vm0 =	vnez.u8 v1;
	v1 =	vld [tilespmem:$0x1FD00];
	_ =	sdelay $0x4  }
0x1a3: {  	v44 =	vsel vm0, $0x3F800000, v45;
	vm0 =	vnez.u8 v1;
	v1 =	vld [tilespmem:$0x1FD10]  }
0x1a4: {  	vm11 =	vmmov vm9  }
0x1a5: {  	vm9 =	vmmov vm3;
	v37 =	vld [tilespmem:s16+$0x380];
	v52 =	vnsel vm2, $0x0, v31;
	vm3 =	veq.f32 v24, v0  }
0x1a6: {  	(xrf2) =	vadd.scan.msk.f32 $0xffff, v52;
	v56 =	vnsel vm3, $0x0, v31  }
0x1a7: {  	(xrf2) =	vadd.scan.msk.f32 $0xffff, v56;
	v4 =	vadd.f32 v57, v4  }
0x1a8: {  	v12 =	vadd.f32 v12, v27;
	(xrf0) =	vmin.scan.msk.f32 $0xffff, v15;
	v15 =	vpop (erf);
	v35 =	vsel vm0, $0x3F800000, v45;
	vm0 =	vnez.u8 v1;
	v1 =	vld [tilespmem:$0x1FD20]  }
0x1a9: {  	v63 =	vbroadcast v63, $0xF;
	(xrf2) =	vadd.scan.msk.f32 $0xffff, v15;
	v4 =	vadd.f32 v61, v4;
	v61 =	vbroadcast v40, $0xF  }
0x1aa: {  	(xrf0) =	vmax.scan.msk.f32 $0xffff, v37  }
0x1ab: {  	v12 =	vadd.f32 v16, v12;
	v16 =	vsel vm15, v61, v63;
	v61 =	vld [tilespmem:$0x1FD60]  }
0x1ac: {  	v63 =	vld [tilespmem:$0x1FD70]  }
0x1ad: {  	v46 =	vsel vm0, $0x3F800000, v45;
	vm0 =	vnez.u8 v1;
	v1 =	vld [tilespmem:$0x1FD30]  }
0x1ae: {  	v36 =	vadd.f32 v4, v23  }
0x1af: {  	v27 =	vbroadcast v32, $0xF;
	v41 =	vbroadcast v41, $0xF;
	v51, _, _ =	vpop (xrf0)  }
0x1b0: {  	v4, _, _ =	vpop (xrf0)  }
0x1b1: {  	v27 =	vsel vm15, v27, v41;
	v23 =	vbroadcast v4, $0xF;
	v4, _, _ =	vpop (xrf2);
	v41 =	vsel vm15, v61, v63;
	v61 =	vld [tilespmem:$0x1FD80]  }
0x1b2: {  	v38 =	vadd.f32 v36, v38;
	v36, _, _ =	vpop (xrf2);
	v48 =	vsel vm0, $0x3F800000, v45;
	vm0 =	vnez.u8 v1;
	v1 =	vld [tilespmem:$0x1FD40]  }
0x1b3: {  	v63 =	vld [tilespmem:$0x1FD90];
	v32, _, _ =	vpop (xrf2)  }
0x1b4: {  	v32 =	vbroadcast v32, $0xF;
	v38 =	vadd.f32 v38, v43;
	_ =	sdelay $0x1  }
0x1b5: {  	(erf) = vrcp.f32 v32;
	v32 =	vadd.f32 v38, v44;
	v38 =	vbroadcast v61, $0xF;
	v61 =	vld [tilespmem:$0x1FDA0]  }
0x1b6: {  	v52 =	vsel vm0, $0x3F800000, v45;
	vm0 =	vnez.u8 v1;
	v1 =	vld [tilespmem:$0x1FD50]  }
0x1b7: {  	v7 =	vsel vm15, v63, v7;
	v63 =	vld [tilespmem:$0x1FF60];
	_ =	sdelay $0x2  }
0x1b8: {  	v12 =	vadd.f32 v21, v12  }
0x1b9: {  	v21 =	vbroadcast v61, $0xF;
	v61 =	vld [tilespmem:$0x1FDD0];
	v56 =	vsel vm0, $0x3F800000, v45;
	vm0 =	vnez.u8 v1  }
0x1ba: {  	v1 =	vsel vm10, $0x3F800000, v45;
	v57 =	vsel vm0, $0x3F800000, v45;
	vm0 =	vnez.u8 v63;
	v63 =	vld [tilespmem:$0x1FF70]  }
0x1bb: {  	vm10 =	veq.f32 v37, v23;
	v23 =	vsub.f32 v37, v23;
	v21 =	vsel vm0, v27, v21;
	v27 =	vld [tilespmem:$0x1FDB0]  }
0x1bc: {  	v32 =	vadd.f32 v32, v35;
	v40 =	vnsel vm10, $0x41800000, v0  }
0x1bd: {  	v23 =	vmul.f32 $1.442695020e+00, v23;
	(xrf0) =	vmin.scan.msk.f32 $0xffff, v40;
	v40 =	vld [tilespmem:$0x1FDE0]  }
0x1be: {  	v44 =	vld [tilespmem:$0x1FDC0];
	v32 =	vadd.f32 v32, v46;
	v16 =	vsel vm0, v16, v38;
	v6 =	vsel vm0, v7, v6  }
0x1bf: {  	v7 =	vadd.f32 v26, v12;
	(erf) = vpow2.f32 v23;
	v23 =	vbroadcast v61, $0xF  }
0x1c0: {  	v27 =	vsel vm0, v41, v27;
	vm0 =	vnez.u8 v63;
	v41 =	vadd.f32 v32, v48  }
0x1c1: {  	v38 =	vsel vm0, v21, v23;
	v26 =	vsel vm0, v6, v5;
	v6 =	vld [tilespmem:$0x1FE00]  }
0x1c2: {  	v21 =	vsel vm0, v27, v40;
	v27 =	vadd.f32 v34, v7;
	v5 =	vld [tilespmem:$0x1FDF0];
	v7 =	vadd.f32 v41, v52  }
0x1c3: {  	v35 =	vbroadcast v44, $0xF;
	v63 =	vld [tilespmem:$0x1FE40]  }
0x1c4: {  	v13 =	vbroadcast v13, $0xF;
	v52 =	vld [tilespmem:$0x1FE20];
	v46 =	vadd.f32 v7, v56  }
0x1c5: {  	v3 =	vbroadcast v3, $0xF;
	v4 =	vbroadcast v4, $0xF;
	v12 =	vsel vm0, v16, v35;
	v56 =	vld [tilespmem:$0x1FE30]  }
0x1c6: {  	v27 =	vadd.f32 v33, v27;
	vm0 =	vnez.u8 v6;
	v6 =	vld [tilespmem:$0x1FE10];
	v16 =	vadd.f32 v46, v57  }
0x1c7: {  	v23 =	vsel vm14, $0x3F800000, v45;
	v18 =	vsel vm12, v26, v18;
	v5 =	vbroadcast v5, $0xF;
	v46 =	vld [tilespmem:$0x1FE80]  }
0x1c8: {  	v43 =	vpop (erf);
	v41 =	vld [tilespmem:$0x1FE50];
	v27 =	vadd.f32 v39, v27;
	v32 =	vsel vm0, $0x3F800000, v45;
	v1 =	vadd.f32 v16, v1  }
0x1c9: {  	v57 =	vld [tilespmem:$0x1FFE0];
	v21 =	vsel vm12, v21, v52;
	v12 =	vsel vm12, v12, v5;
	v5 =	vmul.f32 v43, v15  }
0x1ca: {  	v52 =	vld [tilespmem:$0x1FEA0];
	v27 =	vadd.f32 v42, v27;
	vm0 =	vnez.u8 v56;
	v1 =	vadd.f32 v1, v32  }
0x1cb: {  	v7, _, _ =	vpop (xrf0);
	v43 =	vld [tilespmem:$0x1FE60];
	v48 =	vnsel vm1, $0x0, v5;
	v44 =	vbroadcast v6, $0xF;
	v6 =	vbroadcast v51, $0xF  }
0x1cc: {  	v51 =	vbroadcast v7, $0xF;
	(xrf2) =	vadd.scan.msk.f32 $0xffff, v48;
	v33 =	vbroadcast v46, $0xF;
	v48 =	vld [tilespmem:$0x1FE90];
	v1 =	vadd.f32 v1, v23  }
0x1cd: {  	v15 =	vsel vm12, v38, v44;
	vm14 =	veq.f32 v6, v0;
	v38 =	vsel vm0, $0x3F800000, v45;
	v44 =	vld [tilespmem:$0x1FE70]  }
0x1ce: {  	vm0 =	vnez.u8 v63;
	vm10 =	veq.f32 v51, v0;
	v51 =	vld [tilespmem:$0x1FF80];
	v61 =	vnsel vm14, $0x0, v5  }
0x1cf: {  	v34 =	vpop (erf);
	v56 =	vld [tilespmem:$0x1FFD0];
	v40 =	vsel vm0, $0x3F800000, v45;
	vm0 =	vnez.u8 v41;
	v1 =	vadd.f32 v1, v38;
	(xrf2) =	vadd.scan.msk.f32 $0xffff, v61  }
0x1d0: {  	v23 =	vsel vm4, $0x3F800000, v45;
	v63 =	vld [tilespmem:$0x1FEB0];
	v26 =	vsel vm10, $0xFF800000, v37;
	v35 =	vsel vm0, $0x3F800000, v45;
	(xrf2) =	vadd.scan.msk.f32 $0xffff, v34  }
0x1d1: {  	vm0 =	vnez.u8 v43;
	(xrf0) =	vmax.scan.msk.f32 $0xffff, v26;
	v43 =	vsel vm8, $0x3F800000, v45;
	v61 =	vld [tilespmem:$0x1FFB0];
	v1 =	vadd.f32 v1, v40  }
0x1d2: {  	v37 =	vsel vm0, $0x3F800000, v45;
	v41 =	vbroadcast v48, $0xF;
	v48 =	vld [tilespmem:$0x1FFC0];
	vm0 =	vnez.u8 v44  }
0x1d3: {  	vm8 =	vnez.u8 v51;
	v44 =	vsel vm5, $0x3F800000, v45;
	v51 =	vld [tilespmem:$0x1FF90];
	v1 =	vadd.f32 v1, v35  }
0x1d4: {  	v16 =	vsel vm0, $0x3F800000, v45;
	vm0 =	vnez.u8 v52;
	v12 =	vsel vm8, v12, v33;
	v52 =	vld [tilespmem:$0x1FEC0]  }
0x1d5: {  	v15 =	vsel vm8, v15, v41;
	v41 =	vsel vm7, $0x3F800000, v45;
	vm7 =	vnez.u8 v57;
	v57 =	vld [tilespmem:$0x1FED0]  }
0x1d6: {  	v33 =	vsel vm6, $0x3F800000, v45;
	vm6 =	vnez.u8 v56;
	v21 =	vsel vm8, v21, v63;
	v63 =	vld [tilespmem:$0x1FEE0]  }
0x1d7: {  	v18 =	vsel vm8, v18, v28;
	v28 =	vsel vm2, $0x3F800000, v45;
	v1 =	vadd.f32 v1, v37;
	v56, _, _ =	vpop (xrf0)  }
0x1d8: {  	v32 =	vsel vm0, $0x3F800000, v45;
	vm4 =	vnez.u8 v61;
	v39, _, _ =	vpop (xrf2);
	v38 =	vbroadcast v56, $0xF  }
0x1d9: {  	v61 =	vld [tilespmem:$0x1FFA0];
	vm5 =	vnez.u8 v48;
	v1 =	vadd.f32 v1, v16;
	vm2 =	vnez.u8 v51;
	v40, _, _ =	vpop (xrf2)  }
0x1da: {  	v56 =	vld [tilespmem:$0x1FEF0];
	v46 =	vbroadcast v52, $0xF;
	v48 =	vbroadcast v57, $0xF;
	vm0 =	veq.f32 v26, v38;
	v26, _, _ =	vpop (xrf2)  }
0x1db: {  	v38 =	vsel vm14, $0x3F800000, v45;
	v21 =	vsel vm2, v21, v63;
	v26 =	vbroadcast v26, $0xF  }
0x1dc: {  	v18 =	vsel vm2, v18, v30;
	v57 =	vld [tilespmem:$0x1FF10];
	v1 =	vadd.f32 v1, v43;
	v35 =	vnsel vm0, $0x41800000, v0  }
0x1dd: {  	v12 =	vsel vm2, v12, v46;
	v46 =	vsel vm3, $0x3F800000, v45;
	(erf) = vrcp.f32 v26;
	v26 =	vld [tilespmem:$0x1FF00]  }
0x1de: {  	vm3 =	vmmov vm9;
	v15 =	vsel vm2, v15, v48;
	v1 =	vadd.f32 v1, v32  }
0x1df: {  	v48 =	vsel vm1, $0x3F800000, v45;
	vm1 =	vnez.u8 v61;
	v51 =	vbroadcast v56, $0xF  }
0x1e0: {  	v63 =	vld [tilespmem:$0x1FF40];
	(xrf0) =	vmin.scan.msk.f32 $0xffff, v35;
	v35 =	vbroadcast v17, $0xF;
	v10 =	vsel vm1, v18, v10;
	v1 =	vadd.f32 v1, v33  }
0x1e1: {  	v61 =	vld [tilespmem:$0x1FF30];
	v56 =	vbroadcast v25, $0xF;
	v8 =	vsel vm3, v10, v8;
	v12 =	vsel vm1, v12, v51  }
0x1e2: {  	v16 =	vbroadcast v57, $0xF;
	v1 =	vadd.f32 v1, v41;
	v26 =	vbroadcast v26, $0xF  }
0x1e3: {  	v8 =	vsel vm4, v8, v50;
	v50 =	vsel vm10, $0x3F800000, v45;
	v57 =	vbroadcast v29, $0xF  }
0x1e4: {  	v8 =	vsel vm5, v8, v55;
	v1 =	vadd.f32 v1, v23;
	v15 =	vsel vm1, v15, v26;
	v26 =	vld [tilespmem:$0x1FF20]  }
0x1e5: {  	v30 =	vld [tilespmem:$0x1FF50];
	v12 =	vsel vm3, v12, v16;
	v16 =	vbroadcast v63, $0xF;
	v8 =	vsel vm6, v8, v59  }
0x1e6: {  	v18 =	vbroadcast v61, $0xF;
	v2 =	vsel vm7, v8, v2;
	v1 =	vadd.f32 v1, v44  }
0x1e7: {  	v61 =	vbroadcast v39, $0xF;
	v12 =	vsel vm4, v12, v16;
	v2 =	vsel vm11, v2, v24;
	v37 =	vpop (erf)  }
0x1e8: {  	v43, _, _ =	vpop (xrf0);
	v12 =	vsel vm5, v12, v13;
	v1 =	vadd.f32 v1, v28;
	v42 =	vmul.f32 v37, v34  }
0x1e9: {  	v52 =	vld [tilespmem:$0x1FFF0];
	v21 =	vsel vm1, v21, v26;
	v26 =	vadd.f32 v49, v27;
	v49 =	vbroadcast v43, $0xF  }
0x1ea: {  	v3 =	vsel vm6, v12, v3;
	v15 =	vsel vm3, v15, v18;
	v18 =	vbroadcast v30, $0xF  }
0x1eb: {  	v1 =	vadd.f32 v1, v46;
	v51 =	vnsel vm10, $0x0, v42;
	vm0 =	veq.f32 v49, v0  }
0x1ec: {  	v3 =	vsel vm7, v3, v56;
	v15 =	vsel vm4, v15, v18;
	(xrf2) =	vadd.scan.msk.f32 $0xffff, v51;
	v55 =	vnsel vm0, $0x0, v42  }
0x1ed: {  	v3 =	vsel vm11, v3, v4;
	v15 =	vsel vm5, v15, v35;
	v1 =	vadd.f32 v1, v48;
	(xrf2) =	vadd.scan.msk.f32 $0xffff, v55  }
0x1ee: {  	vm10 =	vnez.u8 v52;
	v21 =	vsel vm3, v21, v22;
	v32 =	vadd.f32 v53, v26  }
0x1ef: {  	v1 =	vadd.f32 v1, v38;
	v3 =	vsel vm10, v3, v61;
	v2 =	vsel vm10, v2, v6  }
0x1f0: {  	v11 =	vsel vm4, v21, v11;
	v2 =	vsel vm13, v2, v43;
	v10 =	vadd.f32 v58, v32  }
0x1f1: {  	v53 =	vbroadcast v14, $0xF;
	v9 =	vsel vm5, v11, v9;
	v2 =	vtrunc.f32 v2  }
0x1f2: {  	v1 =	vadd.f32 v1, v50;
	v9 =	vsel vm6, v9, v47;
	v10 =	vadd.f32 v62, v10  }
0x1f3: {  	v11 =	vsel vm6, v15, v53;
	v58 =	vbroadcast v36, $0xF;
	v9 =	vsel vm7, v9, v54  }
0x1f4: {  	v2 =	vcvt.f32.s32 v2;
	v9 =	vsel vm11, v9, v60;
	v10 =	vadd.f32 v19, v10  }
0x1f5: {  	s19 =	sand.u32 $0x70, s18;
	s20 =	sand.u32 $0x300, s17;
	p0 =	sne.s32 s18, $0x1F0;
	v11 =	vsel vm7, v11, v57;
	v62 =	vbroadcast v40, $0xF;
	v9 =	vsel vm10, v9, v20  }
.Ltmp0:
0x1f6: {  	s19 =	sor.u32 s19, s20;
	v4 =	vsel vm11, v11, v58;
	v6 =	vsel vm13, v9, v7;
	v59 =	vadd.f32 v31, v10;
	v63, _, _ =	vpop (xrf2);
	(pc) =	sbr.rel @p0 .LBB2_2-.Ltmp0, $4  }
0x1f7: {  	[tilespmem:s19+$0x10480] =	vst v2;
	v4 =	vsel vm10, v4, v62;
	v6 =	vtrunc.f32 v6;
	v3 =	vsel vm13, v3, v63;
	v7, _, _ =	vpop (xrf2)  }
0x1f8: {  	v5 =	vadd.f32 v5, v59;
	[tilespmem:s19+$0x10000] =	vst v3;
	v3 =	vcvt.f32.s32 v6;
	v4 =	vsel vm13, v4, v7  }
0x1f9: {  	[tilespmem:s19+$0x10080] =	vst v4;
	v4 =	vsel vm0, $0x3F800000, v45  }
0x1fa: {  	s17 =	sadd.s32 $0x20, s17;
	s18 =	sadd.s32 $0x10, s18;
	s16 =	sadd.s32 $0x800, s16;
	vm9 =	vmmov vm11;
	v27 =	vadd.f32 v42, v5;
	[tilespmem:s19+$0x10400] =	vst v3;
	v4 =	vadd.f32 v1, v4  }
0x1fb: {  	_ = 	snop  }
0x1fc: {  	[tilespmem:$0x10800] =	vst v4  }
0x1fd: {  	[tilespmem:$0x10880] =	vst v27  }
0x1fe: {  	[hbm4b:s4+s2] =	stream.linear.scatter [tilespmem:s10], [sflag:$0x2], $0x400, $0x38;
	[tilespmem:$0x10900] =	vst v63  }
0x1ff: {  	_ =	swait.ge [sflag:s11], $0x400  }
0x200: {  	[sflag:s11] =	ssyncset.done $0x0  }
0x201: {  	[sflag:s11] =	ssyncadd.s32 $0xFFFFFC00  }
0x202: {  	[hbm4b:s5+s2] =	stream.linear.scatter [tilespmem:s12], [sflag:$0x2], $0x400, $0x38;
	[tilespmem:$0x10900] =	vst v63  }
0x203: {  	_ =	swait.ge [sflag:s11], $0x400  }
0x204: {  	[sflag:s11] =	ssyncset.done $0x0  }
0x205: {  	[sflag:s11] =	ssyncadd.s32 $0xFFFFFC00  }
0x206: {  	[hbm4b:s6+s2] =	stream.linear.scatter [tilespmem:s13], [sflag:$0x2], $0x80, $0x38;
	[tilespmem:$0x10900] =	vst v63  }
0x207: {  	s15 =	sadd.s32 $0x1, s15;
	_ =	swait.ge [sflag:s11], $0x80  }
0x208: {  	p0 =	sne.s32 s15, s8;
	[sflag:s11] =	ssyncset.done $0x0  }
.Ltmp1:
0x209: {  	[sflag:s11] =	ssyncadd.s32 $0xFFFFFF80;
	(pc) =	sbr.rel @p0 .LBB2_1-.Ltmp1, $4  }
0x20a: {  	[hbm4b:s7+s2] =	stream.linear.scatter [tilespmem:s14], [sflag:$0x2], $0x80, $0x38;
	[tilespmem:$0x10900] =	vst v63  }
0x20b: {  	_ =	swait.ge [sflag:s11], $0x80  }
0x20c: {  	[sflag:s11] =	ssyncset.done $0x0  }
0x20d: {  	[sflag:s11] =	ssyncadd.s32 $0xFFFFFF80  }
0x20e: {  	_ =	sfence.sel $0x180000  }
0x20f: {  	[bflag:$0x0] =	sbarrier.arrive $0xFFFF  }
0x210: {  	p0 =	sne.s32 s1, $0x0;
	_ =	strace $0x90000047  }
0x211: {  	s0 =	sadd.s32 @!p0 $0x100000, s0;
	[bflag:$0x2] =	sbarrier.arrive $0xFFFF  }
0x212: {  	[sflag:s0] =	ssyncadd.tile.s32 @!p0 $0x1;
	_ =	shalt  }
.Lfunc_end2:
_tile_overlayer_lowered:
.L_overlay_start_2:
0x213: {  	(tag) =	ssettag $0x2  }
0x214: {  	s0 =	rddreg [dreg:$0x0];
	s2 =	stileid.u32  }
0x215: {  	s1 =	rddreg [dreg:$0x1];
	p0 =	sne.s32 s2, $0x0  }
0x216: {  	s3 =	rddreg [dreg:$0x2];
	[bflag:$0x3] =	sbarrier.arrive $0xFFFF;
	s2 =	simm.s32 @!p0 $0x1C02  }
0x217: {  	[timem:s3], [sflag:s2] =	dma.local @!p0 [hbm:s0], s1  }
0x218: {  	s0 =	simm.s32 @!p0 $0x2  }
0x219: {  	_ =	swait.ge @!p0 [sflag:s0], s1  }
0x21a: {  	s1 =	ssub.s32 @!p0 $0x0, s1;
	[sflag:s0] =	ssyncset.done @!p0 $0x0  }
0x21b: {  	[sflag:s0] =	ssyncadd.s32 @!p0 s1  }
0x21c: {  	[bflag:$0x3] =	sbarrier.arrive $0xFFFF  }
0x21d: {  	_ =	shalt  }

</sc_bundles>
